<compile_context>
chip_gen: v7x
topology: tpu7x:2x2x1
jax: 0.10.2.dev20260603
libtpu: 0.0.44.dev20260713+nightly
codegen_flags: <defaults>
</compile_context>

<pallas_src>
import functools

import jax
import jax.numpy as jnp
from jax import lax
from jax.experimental import pallas as pl
from jax.experimental.pallas import tpu as pltpu
from jax.experimental.pallas import tpu_sc as plsc

N = 10000
E = 320000
D = 128
NC = 2
NS = 16
NW = NC * NS
EPW = E // NW
CH = 128
NCHUNK = 80
EPAD = NCHUNK * CH
NSENT = 16
RPT = 624
REM = N - NS * RPT

@functools.cache
def _mesh():
    return plsc.VectorSubcoreMesh(
        core_axis_name="c", subcore_axis_name="s",
        num_cores=NC, num_subcores=NS)


def _seg_body(h_hbm, srcp_hbm, dstp_hbm, z_hbm, out_hbm,
              sidx, didx, rows, acc, semr):
    c = lax.axis_index("c")
    s = lax.axis_index("s")
    wid = s * NC + c
    ebase = wid * EPAD
    pltpu.sync_copy(z_hbm.at[pl.ds(0, RPT)], acc.at[pl.ds(s * RPT, RPT)])

    @pl.when(s == 0)
    def _():
        pltpu.sync_copy(z_hbm.at[pl.ds(0, REM)], acc.at[pl.ds(NS * RPT, REM)])
    plsc.subcore_barrier()

    def chunk(j, carry):
        off = ebase + j * CH
        pltpu.sync_copy(srcp_hbm.at[pl.ds(off, CH)], sidx)
        pltpu.sync_copy(dstp_hbm.at[pl.ds(off, CH)], didx)
        pltpu.async_copy(h_hbm.at[sidx], rows, semr).wait()
        pltpu.sync_copy(rows, acc.at[didx], add=True)
        return carry

    lax.fori_loop(0, NCHUNK, chunk, 0)
    plsc.subcore_barrier()
    pltpu.sync_copy(acc.at[pl.ds(s * RPT, RPT)],
                    out_hbm.at[pl.ds(c * N + s * RPT, RPT)])

    @pl.when(s == 0)
    def _():
        pltpu.sync_copy(acc.at[pl.ds(NS * RPT, REM)],
                        out_hbm.at[pl.ds(c * N + NS * RPT, REM)])


def _segment_partials(h, srcp, dstp, zeros_rows):
    return pl.kernel(
        _seg_body,
        out_type=jax.ShapeDtypeStruct((2 * N, D), jnp.float32),
        mesh=_mesh(),
        scratch_types=[
            pltpu.VMEM((CH,), jnp.int32),
            pltpu.VMEM((CH,), jnp.int32),
            pltpu.VMEM((CH, D), jnp.float32),
            pltpu.VMEM_SHARED((N + NSENT, D), jnp.float32),
            pltpu.SemaphoreType.DMA,
        ],
    )(h, srcp, dstp, zeros_rows)


def _deg_body(dstp_hbm, z_hbm, ones_hbm, out_hbm, didx, ones, acc):
    c = lax.axis_index("c")
    s = lax.axis_index("s")
    wid = s * NC + c
    ebase = wid * EPAD
    pltpu.sync_copy(ones_hbm, ones)
    pltpu.sync_copy(z_hbm.at[pl.ds(0, RPT)], acc.at[pl.ds(s * RPT, RPT)])

    @pl.when(s == 0)
    def _():
        pltpu.sync_copy(z_hbm.at[pl.ds(0, REM)], acc.at[pl.ds(NS * RPT, REM)])
    plsc.subcore_barrier()

    def chunk(j, carry):
        pltpu.sync_copy(dstp_hbm.at[pl.ds(ebase + j * CH, CH)], didx)
        pltpu.sync_copy(ones, acc.at[didx], add=True)
        return carry

    lax.fori_loop(0, NCHUNK, chunk, 0)
    plsc.subcore_barrier()
    pltpu.sync_copy(acc.at[pl.ds(s * RPT, RPT)],
                    out_hbm.at[pl.ds(c * N + s * RPT, RPT)])

    @pl.when(s == 0)
    def _():
        pltpu.sync_copy(acc.at[pl.ds(NS * RPT, REM)],
                        out_hbm.at[pl.ds(c * N + NS * RPT, REM)])


def _deg_partials(dstp, zeros_rows, ones_rows):
    return pl.kernel(
        _deg_body,
        out_type=jax.ShapeDtypeStruct((2 * N, D), jnp.float32),
        mesh=_mesh(),
        scratch_types=[
            pltpu.VMEM((CH,), jnp.int32),
            pltpu.VMEM((CH, D), jnp.float32),
            pltpu.VMEM_SHARED((N + NSENT, D), jnp.float32),
        ],
    )(dstp, zeros_rows, ones_rows)



BLK = 1000
GRID = N // BLK


def _emb_body(x_ref, w_ref, b_ref, o_ref):
    o_ref[...] = (jnp.dot(x_ref[...], w_ref[...],
                          preferred_element_type=jnp.float32,
                          precision=lax.Precision.HIGHEST) + b_ref[...])


def _embed(x, W, b2d):
    return pl.pallas_call(
        _emb_body,
        grid=(GRID,),
        in_specs=[
            pl.BlockSpec((BLK, D), lambda i: (i, 0)),
            pl.BlockSpec((D, D), lambda i: (0, 0)),
            pl.BlockSpec((1, D), lambda i: (0, 0)),
        ],
        out_specs=pl.BlockSpec((BLK, D), lambda i: (i, 0)),
        out_shape=jax.ShapeDtypeStruct((N, D), jnp.float32),
    )(x, W, b2d)


def _layer_body(h_ref, s0_ref, s1_ref, d0_ref, d1_ref,
                ws_ref, wd_ref, u1_ref, u2_ref, mb_ref, ub_ref, o_ref):
    h = h_ref[...]
    S = s0_ref[...] + s1_ref[...]
    d = d0_ref[:, 0:1] + d1_ref[:, 0:1]
    agg = (jnp.dot(S, ws_ref[...], preferred_element_type=jnp.float32,
                          precision=lax.Precision.HIGHEST)
           + jnp.dot(h * d, wd_ref[...], preferred_element_type=jnp.float32,
                          precision=lax.Precision.HIGHEST)
           + d * mb_ref[...])
    hn = (jnp.dot(h, u1_ref[...], preferred_element_type=jnp.float32,
                          precision=lax.Precision.HIGHEST)
          + jnp.dot(agg, u2_ref[...], preferred_element_type=jnp.float32,
                          precision=lax.Precision.HIGHEST)
          + ub_ref[...])
    o_ref[...] = jnp.maximum(hn, 0.0) + h


def _layer(h, Sp, degp, Ws, Wd, U1, U2, mb2d, ub2d):
    return pl.pallas_call(
        _layer_body,
        grid=(GRID,),
        in_specs=[
            pl.BlockSpec((BLK, D), lambda i: (i, 0)),
            pl.BlockSpec((BLK, D), lambda i: (i, 0)),
            pl.BlockSpec((BLK, D), lambda i: (i + GRID, 0)),
            pl.BlockSpec((BLK, D), lambda i: (i, 0)),
            pl.BlockSpec((BLK, D), lambda i: (i + GRID, 0)),
            pl.BlockSpec((D, D), lambda i: (0, 0)),
            pl.BlockSpec((D, D), lambda i: (0, 0)),
            pl.BlockSpec((D, D), lambda i: (0, 0)),
            pl.BlockSpec((D, D), lambda i: (0, 0)),
            pl.BlockSpec((1, D), lambda i: (0, 0)),
            pl.BlockSpec((1, D), lambda i: (0, 0)),
        ],
        out_specs=pl.BlockSpec((BLK, D), lambda i: (i, 0)),
        out_shape=jax.ShapeDtypeStruct((N, D), jnp.float32),
    )(h, Sp, Sp, degp, degp, Ws, Wd, U1, U2, mb2d, ub2d)


def _readout_body(h_ref, w1_ref, b1_ref, w2_ref, b2_ref, w3_ref, b3_ref,
                  o_ref):
    g = jnp.sum(h_ref[...], axis=0, keepdims=True) * (1.0 / N)
    o1 = jnp.maximum(jnp.dot(g, w1_ref[...],
                             preferred_element_type=jnp.float32,
                          precision=lax.Precision.HIGHEST)
                     + b1_ref[...], 0.0)
    o2 = jnp.maximum(jnp.dot(o1, w2_ref[...],
                             preferred_element_type=jnp.float32,
                          precision=lax.Precision.HIGHEST)
                     + b2_ref[...], 0.0)
    o3 = (jnp.dot(o2, w3_ref[...], preferred_element_type=jnp.float32,
                          precision=lax.Precision.HIGHEST)
          + b3_ref[...])
    o_ref[...] = jnp.broadcast_to(o3, (8, D))


def _readout(h, W1p, b1p, W2p, b2p, W3p, b3p):
    full = lambda shape: pl.BlockSpec(shape, lambda: tuple(0 for _ in shape))
    return pl.pallas_call(
        _readout_body,
        in_specs=[full((N, D)), full((D, D)), full((1, D)), full((D, D)),
                  full((1, D)), full((D, D)), full((1, D))],
        out_specs=full((8, D)),
        out_shape=jax.ShapeDtypeStruct((8, D), jnp.float32),
    )(h, W1p, b1p, W2p, b2p, W3p, b3p)


def kernel(atom_features, edge_indices, W_emb, b_emb, msg_W, msg_b,
           upd_W, upd_b, Wo1, bo1, Wo2, bo2, Wo3, bo3):
    src = edge_indices[0]
    dst = edge_indices[1]
    srcp = jnp.pad(src.reshape(NW, EPW),
                   ((0, 0), (0, EPAD - EPW))).reshape(-1)
    sent = N + jnp.arange(EPAD - EPW, dtype=jnp.int32) % NSENT
    dstp = jnp.concatenate(
        [dst.reshape(NW, EPW),
         jnp.broadcast_to(sent[None, :], (NW, EPAD - EPW))],
        axis=1).reshape(-1)
    zrows = jnp.zeros((RPT, D), jnp.float32)

    degp = _deg_partials(dstp, zrows, jnp.ones((CH, D), jnp.float32))
    h = _embed(atom_features, W_emb, b_emb.reshape(1, D))

    for i in range(msg_W.shape[0]):
        Sp = _segment_partials(h, srcp, dstp, zrows)
        h = _layer(h, Sp, degp,
                   msg_W[i][:D], msg_W[i][D:],
                   upd_W[i][:D], upd_W[i][D:],
                   msg_b[i].reshape(1, D), upd_b[i].reshape(1, D))

    W1p = jnp.pad(Wo1, ((0, 0), (0, D - Wo1.shape[1])))
    b1p = jnp.pad(bo1, (0, D - bo1.shape[0])).reshape(1, D)
    W2p = jnp.pad(Wo2, ((0, D - Wo2.shape[0]), (0, D - Wo2.shape[1])))
    b2p = jnp.pad(bo2, (0, D - bo2.shape[0])).reshape(1, D)
    W3p = jnp.pad(Wo3, ((0, D - Wo3.shape[0]), (0, D - Wo3.shape[1])))
    b3p = jnp.pad(bo3, (0, D - bo3.shape[0])).reshape(1, D)
    o = _readout(h, W1p, b1p, W2p, b2p, W3p, b3p)
    return o[0:1, 0:1]

# --- scband reference (transcript-rebuilt; emitter-appended) ---
"""Pipeline reference for scband-enhanced-gnnmodel-9105330668112 (READ-ONLY COPY).

The authoritative reference and input builder live on the scoring server;
editing this copy changes nothing except your own understanding.
"""

import jax, jax.numpy as jnp
import numpy as np

N_NODES = 10000
N_EDGES = 320000
D_FEAT = 128
HIDDEN = 128
NUM_LAYERS = 3


def setup_inputs(seed: int = 0) -> dict:
    key = jax.random.key(seed)
    ks = jax.random.split(key, 16)
    atom_features = jax.random.normal(ks[0], (N_NODES, D_FEAT), dtype=jnp.float32)
    edge_indices = jax.random.randint(ks[1], (2, N_EDGES), 0, N_NODES, dtype=jnp.int64 if jax.config.jax_enable_x64 else jnp.int32).astype(jnp.int32)
    s = 0.02
    W_emb = jax.random.normal(ks[2], (D_FEAT, HIDDEN), dtype=jnp.float32) * s
    b_emb = jnp.zeros((HIDDEN,), dtype=jnp.float32)
    msg_W = jax.random.normal(ks[3], (NUM_LAYERS, 2 * HIDDEN, HIDDEN), dtype=jnp.float32) * s
    msg_b = jnp.zeros((NUM_LAYERS, HIDDEN), dtype=jnp.float32)
    upd_W = jax.random.normal(ks[4], (NUM_LAYERS, 2 * HIDDEN, HIDDEN), dtype=jnp.float32) * s
    upd_b = jnp.zeros((NUM_LAYERS, HIDDEN), dtype=jnp.float32)
    Wo1 = jax.random.normal(ks[5], (HIDDEN, HIDDEN // 2), dtype=jnp.float32) * s
    bo1 = jnp.zeros((HIDDEN // 2,), dtype=jnp.float32)
    Wo2 = jax.random.normal(ks[6], (HIDDEN // 2, HIDDEN // 4), dtype=jnp.float32) * s
    bo2 = jnp.zeros((HIDDEN // 4,), dtype=jnp.float32)
    Wo3 = jax.random.normal(ks[7], (HIDDEN // 4, 1), dtype=jnp.float32) * s
    bo3 = jnp.zeros((1,), dtype=jnp.float32)
    return {
        "atom_features": atom_features,
        "edge_indices": edge_indices,
        "W_emb": W_emb, "b_emb": b_emb,
        "msg_W": msg_W, "msg_b": msg_b,
        "upd_W": upd_W, "upd_b": upd_b,
        "Wo1": Wo1, "bo1": bo1,
        "Wo2": Wo2, "bo2": bo2,
        "Wo3": Wo3, "bo3": bo3,
    }


def reference(atom_features, edge_indices, W_emb, b_emb, msg_W, msg_b, upd_W, upd_b, Wo1, bo1, Wo2, bo2, Wo3, bo3):
    # atom embedding
    h = atom_features @ W_emb + b_emb
    src = edge_indices[0]
    dst = edge_indices[1]
    n = atom_features.shape[0]
    for i in range(NUM_LAYERS):
        # message net over concatenated (src, dst) features, scatter-add to dst
        edge_in = jnp.concatenate([h[src], h[dst]], axis=1)
        msgs = edge_in @ msg_W[i] + msg_b[i]
        agg = jax.ops.segment_sum(msgs, dst, num_segments=n)
        # update net over concatenated (node, aggregated message)
        upd_in = jnp.concatenate([h, agg], axis=1)
        h_new = upd_in @ upd_W[i] + upd_b[i]
        h = jax.nn.relu(h_new) + h
    # graph readout + output MLP (dropout = identity in eval)
    g = jnp.mean(h, axis=0, keepdims=True)
    o = jax.nn.relu(g @ Wo1 + bo1)
    o = jax.nn.relu(o @ Wo2 + bo2)
    out = o @ Wo3 + bo3
    return out

if __name__ == "__main__":
    import jax
    _d = setup_inputs()
    print(jax.jit(kernel)(*tuple(_d.values())))

</pallas_src>

<mosaic_0001>
#map = affine_map<(d0, d1) -> (0, 0)>
#map1 = affine_map<(d0, d1) -> (0)>
module attributes {stable_mosaic.version = 14 : i64} {
  func.func @_seg_body(%arg0: i32, %arg1: i32, %arg2: memref<10000x128xf32, #tpu.memory_space<hbm>>, %arg3: memref<327680xi32, #tpu.memory_space<hbm>>, %arg4: memref<327680xi32, #tpu.memory_space<hbm>>, %arg5: memref<624x128xf32, #tpu.memory_space<hbm>>, %arg6: memref<20000x128xf32, #tpu.memory_space<hbm>>, %arg7: memref<128xi32, #tpu.memory_space<vmem>>, %arg8: memref<128xi32, #tpu.memory_space<vmem>>, %arg9: memref<128x128xf32, #tpu.memory_space<vmem>>, %arg10: memref<10016x128xf32, #tpu.memory_space<vmem_shared>>, %arg11: memref<!tpu.dma_semaphore, #tpu.memory_space<semaphore_mem>>) attributes {dimension_semantics = [#tpu.dimension_semantics<core_parallel>, #tpu.dimension_semantics<subcore_parallel>], iteration_bounds = array<i64: 2, 16>, scalar_prefetch = 0 : i64, scratch_operands = 5 : i64, tpu.core_type = #tpu.core_type<sc_vector_subcore>, window_params = [{transform_indices = #map}, {transform_indices = #map1}, {transform_indices = #map1}, {transform_indices = #map}, {transform_indices = #map}]} {
    %mul3A = arith.constant 2 : i32
    %mul3A_0 = arith.muli %arg1, %mul3A : i32
    %add3A = arith.addi %mul3A_0, %arg0 : i32
    %mul3A_1 = arith.constant 10240 : i32
    %mul3A_2 = arith.muli %add3A, %mul3A_1 : i32
    %mul3A_3 = arith.constant 624 : i32
    %mul3A_4 = arith.muli %arg1, %mul3A_3 : i32
    "tpu.region"() ({
      %run_scoped3A = tpu.sem_alloc : memref<!tpu.dma_semaphore, #tpu.memory_space<semaphore_mem>>
      %dma_start3A = arith.constant 0 : i32
      %dma_start3A_25 = tpu.memref_slice %arg10[%mul3A_4, %dma_start3A] : memref<10016x128xf32, #tpu.memory_space<vmem_shared>> -> memref<624x128xf32, #tpu.memory_space<vmem_shared>>
      %dma_start3A_26 = arith.constant 0 : i32
      %dma_start3A_27 = arith.constant 0 : i32
      %dma_start3A_28 = tpu.memref_slice %arg5[%dma_start3A_26, %dma_start3A_27] : memref<624x128xf32, #tpu.memory_space<hbm>> -> memref<624x128xf32, #tpu.memory_space<hbm>>
      tpu.enqueue_dma source(%dma_start3A_28 : memref<624x128xf32, #tpu.memory_space<hbm>>) target(%dma_start3A_25 : memref<624x128xf32, #tpu.memory_space<vmem_shared>>) target_semaphore(%run_scoped3A : memref<!tpu.dma_semaphore, #tpu.memory_space<semaphore_mem>>)
      %dma_wait3A = arith.constant 0 : i32
      %dma_wait3A_29 = tpu.memref_slice %arg10[%mul3A_4, %dma_wait3A] : memref<10016x128xf32, #tpu.memory_space<vmem_shared>> -> memref<624x128xf32, #tpu.memory_space<vmem_shared>>
      %dma_wait3A_30 = arith.constant 0 : i32
      %dma_wait3A_31 = arith.constant 0 : i32
      %dma_wait3A_32 = tpu.memref_slice %arg5[%dma_wait3A_30, %dma_wait3A_31] : memref<624x128xf32, #tpu.memory_space<hbm>> -> memref<624x128xf32, #tpu.memory_space<hbm>>
      tpu.wait_dma2 semaphore(%run_scoped3A : memref<!tpu.dma_semaphore, #tpu.memory_space<semaphore_mem>>) src(%dma_wait3A_32 : memref<624x128xf32, #tpu.memory_space<hbm>>) dst(%dma_wait3A_29 : memref<624x128xf32, #tpu.memory_space<vmem_shared>>)
      tpu.yield
    }) : () -> ()
    %eq3A = arith.constant 0 : i32
    %eq3A_5 = arith.cmpi eq, %arg1, %eq3A : i32
    %convert_element_type3A = arith.extui %eq3A_5 : i1 to i32
    %cond3A = arith.constant 0 : i32
    %cond3A_6 = arith.cmpi ne, %convert_element_type3A, %cond3A : i32
    scf.if %cond3A_6 {
      "tpu.region"() ({
        %run_scoped3A = tpu.sem_alloc : memref<!tpu.dma_semaphore, #tpu.memory_space<semaphore_mem>>
        %dma_start3A = arith.constant 9984 : i32
        %dma_start3A_25 = arith.constant 0 : i32
        %dma_start3A_26 = tpu.memref_slice %arg10[%dma_start3A, %dma_start3A_25] : memref<10016x128xf32, #tpu.memory_space<vmem_shared>> -> memref<16x128xf32, #tpu.memory_space<vmem_shared>>
        %dma_start3A_27 = arith.constant 0 : i32
        %dma_start3A_28 = arith.constant 0 : i32
        %dma_start3A_29 = tpu.memref_slice %arg5[%dma_start3A_27, %dma_start3A_28] : memref<624x128xf32, #tpu.memory_space<hbm>> -> memref<16x128xf32, #tpu.memory_space<hbm>>
        tpu.enqueue_dma source(%dma_start3A_29 : memref<16x128xf32, #tpu.memory_space<hbm>>) target(%dma_start3A_26 : memref<16x128xf32, #tpu.memory_space<vmem_shared>>) target_semaphore(%run_scoped3A : memref<!tpu.dma_semaphore, #tpu.memory_space<semaphore_mem>>)
        %dma_wait3A = arith.constant 9984 : i32
        %dma_wait3A_30 = arith.constant 0 : i32
        %dma_wait3A_31 = tpu.memref_slice %arg10[%dma_wait3A, %dma_wait3A_30] : memref<10016x128xf32, #tpu.memory_space<vmem_shared>> -> memref<16x128xf32, #tpu.memory_space<vmem_shared>>
        %dma_wait3A_32 = arith.constant 0 : i32
        %dma_wait3A_33 = arith.constant 0 : i32
        %dma_wait3A_34 = tpu.memref_slice %arg5[%dma_wait3A_32, %dma_wait3A_33] : memref<624x128xf32, #tpu.memory_space<hbm>> -> memref<16x128xf32, #tpu.memory_space<hbm>>
        tpu.wait_dma2 semaphore(%run_scoped3A : memref<!tpu.dma_semaphore, #tpu.memory_space<semaphore_mem>>) src(%dma_wait3A_34 : memref<16x128xf32, #tpu.memory_space<hbm>>) dst(%dma_wait3A_31 : memref<16x128xf32, #tpu.memory_space<vmem_shared>>)
        tpu.yield
      }) : () -> ()
    } else {
    }
    %barrier3A = arith.constant 0 : index
    tpu.barrier barrier_id(%barrier3A)
    %scan3A = arith.constant 0 : i32
    %scan3A_7 = arith.constant 0 : i32
    %scan3A_8 = arith.constant 80 : i32
    %scan3A_9 = arith.addi %scan3A_7, %scan3A_8 : i32
    %scan3A_10 = arith.constant 1 : i32
    scf.for %scan3A_25 = %scan3A_7 to %scan3A_9 step %scan3A_10  : i32 {
      %mul3A_26 = arith.constant 128 : i32
      %mul3A_27 = arith.muli %scan3A_25, %mul3A_26 : i32
      %add3A_28 = arith.addi %mul3A_2, %mul3A_27 : i32
      "tpu.region"() ({
        %run_scoped3A = tpu.sem_alloc : memref<!tpu.dma_semaphore, #tpu.memory_space<semaphore_mem>>
        %dma_start3A_33 = tpu.memref_slice %arg3[%add3A_28] : memref<327680xi32, #tpu.memory_space<hbm>> -> memref<128xi32, #tpu.memory_space<hbm>>
        %dma_start3A_34 = tpu.memref_slice %arg3[%add3A_28] : memref<327680xi32, #tpu.memory_space<hbm>> -> memref<128xi32, #tpu.memory_space<hbm>>
        tpu.enqueue_dma source(%dma_start3A_34 : memref<128xi32, #tpu.memory_space<hbm>>) target(%arg7 : memref<128xi32, #tpu.memory_space<vmem>>) target_semaphore(%run_scoped3A : memref<!tpu.dma_semaphore, #tpu.memory_space<semaphore_mem>>)
        %dma_wait3A_35 = tpu.memref_slice %arg3[%add3A_28] : memref<327680xi32, #tpu.memory_space<hbm>> -> memref<128xi32, #tpu.memory_space<hbm>>
        %dma_wait3A_36 = tpu.memref_slice %arg3[%add3A_28] : memref<327680xi32, #tpu.memory_space<hbm>> -> memref<128xi32, #tpu.memory_space<hbm>>
        tpu.wait_dma2 semaphore(%run_scoped3A : memref<!tpu.dma_semaphore, #tpu.memory_space<semaphore_mem>>) src(%dma_wait3A_36 : memref<128xi32, #tpu.memory_space<hbm>>) dst(%arg7 : memref<128xi32, #tpu.memory_space<vmem>>)
        tpu.yield
      }) : () -> ()
      "tpu.region"() ({
        %run_scoped3A = tpu.sem_alloc : memref<!tpu.dma_semaphore, #tpu.memory_space<semaphore_mem>>
        %dma_start3A_33 = tpu.memref_slice %arg4[%add3A_28] : memref<327680xi32, #tpu.memory_space<hbm>> -> memref<128xi32, #tpu.memory_space<hbm>>
        %dma_start3A_34 = tpu.memref_slice %arg4[%add3A_28] : memref<327680xi32, #tpu.memory_space<hbm>> -> memref<128xi32, #tpu.memory_space<hbm>>
        tpu.enqueue_dma source(%dma_start3A_34 : memref<128xi32, #tpu.memory_space<hbm>>) target(%arg8 : memref<128xi32, #tpu.memory_space<vmem>>) target_semaphore(%run_scoped3A : memref<!tpu.dma_semaphore, #tpu.memory_space<semaphore_mem>>)
        %dma_wait3A_35 = tpu.memref_slice %arg4[%add3A_28] : memref<327680xi32, #tpu.memory_space<hbm>> -> memref<128xi32, #tpu.memory_space<hbm>>
        %dma_wait3A_36 = tpu.memref_slice %arg4[%add3A_28] : memref<327680xi32, #tpu.memory_space<hbm>> -> memref<128xi32, #tpu.memory_space<hbm>>
        tpu.wait_dma2 semaphore(%run_scoped3A : memref<!tpu.dma_semaphore, #tpu.memory_space<semaphore_mem>>) src(%dma_wait3A_36 : memref<128xi32, #tpu.memory_space<hbm>>) dst(%arg8 : memref<128xi32, #tpu.memory_space<vmem>>)
        tpu.yield
      }) : () -> ()
      %dma_start3A = arith.constant 0 : i32
      %dma_start3A_29 = arith.constant 0 : i32
      %dma_start3A_30 = tpu.memref_slice %arg2[%dma_start3A, %dma_start3A_29] : memref<10000x128xf32, #tpu.memory_space<hbm>> -> memref<10000x128xf32, #tpu.memory_space<hbm>>
      tpu.enqueue_indirect_dma source(%dma_start3A_30 : memref<10000x128xf32, #tpu.memory_space<hbm>>) target(%arg9 : memref<128x128xf32, #tpu.memory_space<vmem>>) offsets(%arg7 : memref<128xi32, #tpu.memory_space<vmem>>) semaphore(%arg11 : memref<!tpu.dma_semaphore, #tpu.memory_space<semaphore_mem>>)
      %dma_wait3A = arith.constant 0 : i32
      %dma_wait3A_31 = arith.constant 0 : i32
      %dma_wait3A_32 = tpu.memref_slice %arg2[%dma_wait3A, %dma_wait3A_31] : memref<10000x128xf32, #tpu.memory_space<hbm>> -> memref<10000x128xf32, #tpu.memory_space<hbm>>
      tpu.wait_indirect_dma semaphore(%arg11 : memref<!tpu.dma_semaphore, #tpu.memory_space<semaphore_mem>>) src(%dma_wait3A_32 : memref<10000x128xf32, #tpu.memory_space<hbm>>) dst(%arg9 : memref<128x128xf32, #tpu.memory_space<vmem>>)
      "tpu.region"() ({
        %run_scoped3A = tpu.sem_alloc : memref<!tpu.dma_semaphore, #tpu.memory_space<semaphore_mem>>
        %dma_start3A_33 = arith.constant 0 : i32
        %dma_start3A_34 = arith.constant 0 : i32
        %dma_start3A_35 = tpu.memref_slice %arg10[%dma_start3A_33, %dma_start3A_34] : memref<10016x128xf32, #tpu.memory_space<vmem_shared>> -> memref<10016x128xf32, #tpu.memory_space<vmem_shared>>
        tpu.enqueue_indirect_dma source(%arg9 : memref<128x128xf32, #tpu.memory_space<vmem>>) target(%dma_start3A_35 : memref<10016x128xf32, #tpu.memory_space<vmem_shared>>) offsets(%arg8 : memref<128xi32, #tpu.memory_space<vmem>>) semaphore(%run_scoped3A : memref<!tpu.dma_semaphore, #tpu.memory_space<semaphore_mem>>) {add = true}
        %dma_wait3A_36 = arith.constant 0 : i32
        %dma_wait3A_37 = arith.constant 0 : i32
        %dma_wait3A_38 = tpu.memref_slice %arg10[%dma_wait3A_36, %dma_wait3A_37] : memref<10016x128xf32, #tpu.memory_space<vmem_shared>> -> memref<10016x128xf32, #tpu.memory_space<vmem_shared>>
        tpu.wait_indirect_dma semaphore(%run_scoped3A : memref<!tpu.dma_semaphore, #tpu.memory_space<semaphore_mem>>) src(%arg9 : memref<128x128xf32, #tpu.memory_space<vmem>>) dst(%dma_wait3A_38 : memref<10016x128xf32, #tpu.memory_space<vmem_shared>>)
        tpu.yield
      }) : () -> ()
    }
    %scan3A_11 = arith.constant 80 : i32
    %barrier3A_12 = arith.constant 0 : index
    tpu.barrier barrier_id(%barrier3A_12)
    %mul3A_13 = arith.constant 624 : i32
    %mul3A_14 = arith.muli %arg1, %mul3A_13 : i32
    %mul3A_15 = arith.constant 10000 : i32
    %mul3A_16 = arith.muli %arg0, %mul3A_15 : i32
    %mul3A_17 = arith.constant 624 : i32
    %mul3A_18 = arith.muli %arg1, %mul3A_17 : i32
    %add3A_19 = arith.addi %mul3A_16, %mul3A_18 : i32
    "tpu.region"() ({
      %run_scoped3A = tpu.sem_alloc : memref<!tpu.dma_semaphore, #tpu.memory_space<semaphore_mem>>
      %dma_start3A = arith.constant 0 : i32
      %dma_start3A_25 = tpu.memref_slice %arg6[%add3A_19, %dma_start3A] : memref<20000x128xf32, #tpu.memory_space<hbm>> -> memref<624x128xf32, #tpu.memory_space<hbm>>
      %dma_start3A_26 = arith.constant 0 : i32
      %dma_start3A_27 = tpu.memref_slice %arg10[%mul3A_14, %dma_start3A_26] : memref<10016x128xf32, #tpu.memory_space<vmem_shared>> -> memref<624x128xf32, #tpu.memory_space<vmem_shared>>
      tpu.enqueue_dma source(%dma_start3A_27 : memref<624x128xf32, #tpu.memory_space<vmem_shared>>) target(%dma_start3A_25 : memref<624x128xf32, #tpu.memory_space<hbm>>) target_semaphore(%run_scoped3A : memref<!tpu.dma_semaphore, #tpu.memory_space<semaphore_mem>>)
      %dma_wait3A = arith.constant 0 : i32
      %dma_wait3A_28 = tpu.memref_slice %arg6[%add3A_19, %dma_wait3A] : memref<20000x128xf32, #tpu.memory_space<hbm>> -> memref<624x128xf32, #tpu.memory_space<hbm>>
      %dma_wait3A_29 = arith.constant 0 : i32
      %dma_wait3A_30 = tpu.memref_slice %arg10[%mul3A_14, %dma_wait3A_29] : memref<10016x128xf32, #tpu.memory_space<vmem_shared>> -> memref<624x128xf32, #tpu.memory_space<vmem_shared>>
      tpu.wait_dma2 semaphore(%run_scoped3A : memref<!tpu.dma_semaphore, #tpu.memory_space<semaphore_mem>>) src(%dma_wait3A_30 : memref<624x128xf32, #tpu.memory_space<vmem_shared>>) dst(%dma_wait3A_28 : memref<624x128xf32, #tpu.memory_space<hbm>>)
      tpu.yield
    }) : () -> ()
    %eq3A_20 = arith.constant 0 : i32
    %eq3A_21 = arith.cmpi eq, %arg1, %eq3A_20 : i32
    %convert_element_type3A_22 = arith.extui %eq3A_21 : i1 to i32
    %cond3A_23 = arith.constant 0 : i32
    %cond3A_24 = arith.cmpi ne, %convert_element_type3A_22, %cond3A_23 : i32
    scf.if %cond3A_24 {
      %mul3A_25 = arith.constant 10000 : i32
      %mul3A_26 = arith.muli %arg0, %mul3A_25 : i32
      %add3A_27 = arith.constant 9984 : i32
      %add3A_28 = arith.addi %mul3A_26, %add3A_27 : i32
      "tpu.region"() ({
        %run_scoped3A = tpu.sem_alloc : memref<!tpu.dma_semaphore, #tpu.memory_space<semaphore_mem>>
        %dma_start3A = arith.constant 0 : i32
        %dma_start3A_29 = tpu.memref_slice %arg6[%add3A_28, %dma_start3A] : memref<20000x128xf32, #tpu.memory_space<hbm>> -> memref<16x128xf32, #tpu.memory_space<hbm>>
        %dma_start3A_30 = arith.constant 9984 : i32
        %dma_start3A_31 = arith.constant 0 : i32
        %dma_start3A_32 = tpu.memref_slice %arg10[%dma_start3A_30, %dma_start3A_31] : memref<10016x128xf32, #tpu.memory_space<vmem_shared>> -> memref<16x128xf32, #tpu.memory_space<vmem_shared>>
        tpu.enqueue_dma source(%dma_start3A_32 : memref<16x128xf32, #tpu.memory_space<vmem_shared>>) target(%dma_start3A_29 : memref<16x128xf32, #tpu.memory_space<hbm>>) target_semaphore(%run_scoped3A : memref<!tpu.dma_semaphore, #tpu.memory_space<semaphore_mem>>)
        %dma_wait3A = arith.constant 0 : i32
        %dma_wait3A_33 = tpu.memref_slice %arg6[%add3A_28, %dma_wait3A] : memref<20000x128xf32, #tpu.memory_space<hbm>> -> memref<16x128xf32, #tpu.memory_space<hbm>>
        %dma_wait3A_34 = arith.constant 9984 : i32
        %dma_wait3A_35 = arith.constant 0 : i32
        %dma_wait3A_36 = tpu.memref_slice %arg10[%dma_wait3A_34, %dma_wait3A_35] : memref<10016x128xf32, #tpu.memory_space<vmem_shared>> -> memref<16x128xf32, #tpu.memory_space<vmem_shared>>
        tpu.wait_dma2 semaphore(%run_scoped3A : memref<!tpu.dma_semaphore, #tpu.memory_space<semaphore_mem>>) src(%dma_wait3A_36 : memref<16x128xf32, #tpu.memory_space<vmem_shared>>) dst(%dma_wait3A_33 : memref<16x128xf32, #tpu.memory_space<hbm>>)
        tpu.yield
      }) : () -> ()
    } else {
    }
    return
  }
}

#map = affine_map<(d0, d1) -> (0, 0)>
#map1 = affine_map<(d0, d1) -> (0)>
module attributes {stable_mosaic.version = 14 : i64} {
  func.func @_seg_body(%arg0: i32, %arg1: i32, %arg2: memref<10000x128xf32, #tpu.memory_space<hbm>>, %arg3: memref<327680xi32, #tpu.memory_space<hbm>>, %arg4: memref<327680xi32, #tpu.memory_space<hbm>>, %arg5: memref<624x128xf32, #tpu.memory_space<hbm>>, %arg6: memref<20000x128xf32, #tpu.memory_space<hbm>>, %arg7: memref<128xi32, #tpu.memory_space<vmem>>, %arg8: memref<128xi32, #tpu.memory_space<vmem>>, %arg9: memref<128x128xf32, #tpu.memory_space<vmem>>, %arg10: memref<10016x128xf32, #tpu.memory_space<vmem_shared>>, %arg11: memref<!tpu.dma_semaphore, #tpu.memory_space<semaphore_mem>>) attributes {dimension_semantics = [#tpu.dimension_semantics<core_parallel>, #tpu.dimension_semantics<subcore_parallel>], iteration_bounds = array<i64: 2, 16>, scalar_prefetch = 0 : i64, scratch_operands = 5 : i64, tpu.core_type = #tpu.core_type<sc_vector_subcore>, window_params = [{transform_indices = #map}, {transform_indices = #map1}, {transform_indices = #map1}, {transform_indices = #map}, {transform_indices = #map}]} {
    %mul3A = arith.constant 2 : i32
    %mul3A_0 = arith.muli %arg1, %mul3A : i32
    %add3A = arith.addi %mul3A_0, %arg0 : i32
    %mul3A_1 = arith.constant 10240 : i32
    %mul3A_2 = arith.muli %add3A, %mul3A_1 : i32
    %mul3A_3 = arith.constant 624 : i32
    %mul3A_4 = arith.muli %arg1, %mul3A_3 : i32
    "tpu.region"() ({
      %run_scoped3A = tpu.sem_alloc : memref<!tpu.dma_semaphore, #tpu.memory_space<semaphore_mem>>
      %dma_start3A = arith.constant 0 : i32
      %dma_start3A_25 = tpu.memref_slice %arg10[%mul3A_4, %dma_start3A] : memref<10016x128xf32, #tpu.memory_space<vmem_shared>> -> memref<624x128xf32, #tpu.memory_space<vmem_shared>>
      %dma_start3A_26 = arith.constant 0 : i32
      %dma_start3A_27 = arith.constant 0 : i32
      %dma_start3A_28 = tpu.memref_slice %arg5[%dma_start3A_26, %dma_start3A_27] : memref<624x128xf32, #tpu.memory_space<hbm>> -> memref<624x128xf32, #tpu.memory_space<hbm>>
      tpu.enqueue_dma source(%dma_start3A_28 : memref<624x128xf32, #tpu.memory_space<hbm>>) target(%dma_start3A_25 : memref<624x128xf32, #tpu.memory_space<vmem_shared>>) target_semaphore(%run_scoped3A : memref<!tpu.dma_semaphore, #tpu.memory_space<semaphore_mem>>)
      %dma_wait3A = arith.constant 0 : i32
      %dma_wait3A_29 = tpu.memref_slice %arg10[%mul3A_4, %dma_wait3A] : memref<10016x128xf32, #tpu.memory_space<vmem_shared>> -> memref<624x128xf32, #tpu.memory_space<vmem_shared>>
      %dma_wait3A_30 = arith.constant 0 : i32
      %dma_wait3A_31 = arith.constant 0 : i32
      %dma_wait3A_32 = tpu.memref_slice %arg5[%dma_wait3A_30, %dma_wait3A_31] : memref<624x128xf32, #tpu.memory_space<hbm>> -> memref<624x128xf32, #tpu.memory_space<hbm>>
      tpu.wait_dma2 semaphore(%run_scoped3A : memref<!tpu.dma_semaphore, #tpu.memory_space<semaphore_mem>>) src(%dma_wait3A_32 : memref<624x128xf32, #tpu.memory_space<hbm>>) dst(%dma_wait3A_29 : memref<624x128xf32, #tpu.memory_space<vmem_shared>>)
      tpu.yield
    }) : () -> ()
    %eq3A = arith.constant 0 : i32
    %eq3A_5 = arith.cmpi eq, %arg1, %eq3A : i32
    %convert_element_type3A = arith.extui %eq3A_5 : i1 to i32
    %cond3A = arith.constant 0 : i32
    %cond3A_6 = arith.cmpi ne, %convert_element_type3A, %cond3A : i32
    scf.if %cond3A_6 {
      "tpu.region"() ({
        %run_scoped3A = tpu.sem_alloc : memref<!tpu.dma_semaphore, #tpu.memory_space<semaphore_mem>>
        %dma_start3A = arith.constant 9984 : i32
        %dma_start3A_25 = arith.constant 0 : i32
        %dma_start3A_26 = tpu.memref_slice %arg10[%dma_start3A, %dma_start3A_25] : memref<10016x128xf32, #tpu.memory_space<vmem_shared>> -> memref<16x128xf32, #tpu.memory_space<vmem_shared>>
        %dma_start3A_27 = arith.constant 0 : i32
        %dma_start3A_28 = arith.constant 0 : i32
        %dma_start3A_29 = tpu.memref_slice %arg5[%dma_start3A_27, %dma_start3A_28] : memref<624x128xf32, #tpu.memory_space<hbm>> -> memref<16x128xf32, #tpu.memory_space<hbm>>
        tpu.enqueue_dma source(%dma_start3A_29 : memref<16x128xf32, #tpu.memory_space<hbm>>) target(%dma_start3A_26 : memref<16x128xf32, #tpu.memory_space<vmem_shared>>) target_semaphore(%run_scoped3A : memref<!tpu.dma_semaphore, #tpu.memory_space<semaphore_mem>>)
        %dma_wait3A = arith.constant 9984 : i32
        %dma_wait3A_30 = arith.constant 0 : i32
        %dma_wait3A_31 = tpu.memref_slice %arg10[%dma_wait3A, %dma_wait3A_30] : memref<10016x128xf32, #tpu.memory_space<vmem_shared>> -> memref<16x128xf32, #tpu.memory_space<vmem_shared>>
        %dma_wait3A_32 = arith.constant 0 : i32
        %dma_wait3A_33 = arith.constant 0 : i32
        %dma_wait3A_34 = tpu.memref_slice %arg5[%dma_wait3A_32, %dma_wait3A_33] : memref<624x128xf32, #tpu.memory_space<hbm>> -> memref<16x128xf32, #tpu.memory_space<hbm>>
        tpu.wait_dma2 semaphore(%run_scoped3A : memref<!tpu.dma_semaphore, #tpu.memory_space<semaphore_mem>>) src(%dma_wait3A_34 : memref<16x128xf32, #tpu.memory_space<hbm>>) dst(%dma_wait3A_31 : memref<16x128xf32, #tpu.memory_space<vmem_shared>>)
        tpu.yield
      }) : () -> ()
    } else {
    }
    %barrier3A = arith.constant 0 : index
    tpu.barrier barrier_id(%barrier3A)
    %scan3A = arith.constant 0 : i32
    %scan3A_7 = arith.constant 0 : i32
    %scan3A_8 = arith.constant 80 : i32
    %scan3A_9 = arith.addi %scan3A_7, %scan3A_8 : i32
    %scan3A_10 = arith.constant 1 : i32
    scf.for %scan3A_25 = %scan3A_7 to %scan3A_9 step %scan3A_10  : i32 {
      %mul3A_26 = arith.constant 128 : i32
      %mul3A_27 = arith.muli %scan3A_25, %mul3A_26 : i32
      %add3A_28 = arith.addi %mul3A_2, %mul3A_27 : i32
      "tpu.region"() ({
        %run_scoped3A = tpu.sem_alloc : memref<!tpu.dma_semaphore, #tpu.memory_space<semaphore_mem>>
        %dma_start3A_33 = tpu.memref_slice %arg3[%add3A_28] : memref<327680xi32, #tpu.memory_space<hbm>> -> memref<128xi32, #tpu.memory_space<hbm>>
        %dma_start3A_34 = tpu.memref_slice %arg3[%add3A_28] : memref<327680xi32, #tpu.memory_space<hbm>> -> memref<128xi32, #tpu.memory_space<hbm>>
        tpu.enqueue_dma source(%dma_start3A_34 : memref<128xi32, #tpu.memory_space<hbm>>) target(%arg7 : memref<128xi32, #tpu.memory_space<vmem>>) target_semaphore(%run_scoped3A : memref<!tpu.dma_semaphore, #tpu.memory_space<semaphore_mem>>)
        %dma_wait3A_35 = tpu.memref_slice %arg3[%add3A_28] : memref<327680xi32, #tpu.memory_space<hbm>> -> memref<128xi32, #tpu.memory_space<hbm>>
        %dma_wait3A_36 = tpu.memref_slice %arg3[%add3A_28] : memref<327680xi32, #tpu.memory_space<hbm>> -> memref<128xi32, #tpu.memory_space<hbm>>
        tpu.wait_dma2 semaphore(%run_scoped3A : memref<!tpu.dma_semaphore, #tpu.memory_space<semaphore_mem>>) src(%dma_wait3A_36 : memref<128xi32, #tpu.memory_space<hbm>>) dst(%arg7 : memref<128xi32, #tpu.memory_space<vmem>>)
        tpu.yield
      }) : () -> ()
      "tpu.region"() ({
        %run_scoped3A = tpu.sem_alloc : memref<!tpu.dma_semaphore, #tpu.memory_space<semaphore_mem>>
        %dma_start3A_33 = tpu.memref_slice %arg4[%add3A_28] : memref<327680xi32, #tpu.memory_space<hbm>> -> memref<128xi32, #tpu.memory_space<hbm>>
        %dma_start3A_34 = tpu.memref_slice %arg4[%add3A_28] : memref<327680xi32, #tpu.memory_space<hbm>> -> memref<128xi32, #tpu.memory_space<hbm>>
        tpu.enqueue_dma source(%dma_start3A_34 : memref<128xi32, #tpu.memory_space<hbm>>) target(%arg8 : memref<128xi32, #tpu.memory_space<vmem>>) target_semaphore(%run_scoped3A : memref<!tpu.dma_semaphore, #tpu.memory_space<semaphore_mem>>)
        %dma_wait3A_35 = tpu.memref_slice %arg4[%add3A_28] : memref<327680xi32, #tpu.memory_space<hbm>> -> memref<128xi32, #tpu.memory_space<hbm>>
        %dma_wait3A_36 = tpu.memref_slice %arg4[%add3A_28] : memref<327680xi32, #tpu.memory_space<hbm>> -> memref<128xi32, #tpu.memory_space<hbm>>
        tpu.wait_dma2 semaphore(%run_scoped3A : memref<!tpu.dma_semaphore, #tpu.memory_space<semaphore_mem>>) src(%dma_wait3A_36 : memref<128xi32, #tpu.memory_space<hbm>>) dst(%arg8 : memref<128xi32, #tpu.memory_space<vmem>>)
        tpu.yield
      }) : () -> ()
      %dma_start3A = arith.constant 0 : i32
      %dma_start3A_29 = arith.constant 0 : i32
      %dma_start3A_30 = tpu.memref_slice %arg2[%dma_start3A, %dma_start3A_29] : memref<10000x128xf32, #tpu.memory_space<hbm>> -> memref<10000x128xf32, #tpu.memory_space<hbm>>
      tpu.enqueue_indirect_dma source(%dma_start3A_30 : memref<10000x128xf32, #tpu.memory_space<hbm>>) target(%arg9 : memref<128x128xf32, #tpu.memory_space<vmem>>) offsets(%arg7 : memref<128xi32, #tpu.memory_space<vmem>>) semaphore(%arg11 : memref<!tpu.dma_semaphore, #tpu.memory_space<semaphore_mem>>)
      %dma_wait3A = arith.constant 0 : i32
      %dma_wait3A_31 = arith.constant 0 : i32
      %dma_wait3A_32 = tpu.memref_slice %arg2[%dma_wait3A, %dma_wait3A_31] : memref<10000x128xf32, #tpu.memory_space<hbm>> -> memref<10000x128xf32, #tpu.memory_space<hbm>>
      tpu.wait_indirect_dma semaphore(%arg11 : memref<!tpu.dma_semaphore, #tpu.memory_space<semaphore_mem>>) src(%dma_wait3A_32 : memref<10000x128xf32, #tpu.memory_space<hbm>>) dst(%arg9 : memref<128x128xf32, #tpu.memory_space<vmem>>)
      "tpu.region"() ({
        %run_scoped3A = tpu.sem_alloc : memref<!tpu.dma_semaphore, #tpu.memory_space<semaphore_mem>>
        %dma_start3A_33 = arith.constant 0 : i32
        %dma_start3A_34 = arith.constant 0 : i32
        %dma_start3A_35 = tpu.memref_slice %arg10[%dma_start3A_33, %dma_start3A_34] : memref<10016x128xf32, #tpu.memory_space<vmem_shared>> -> memref<10016x128xf32, #tpu.memory_space<vmem_shared>>
        tpu.enqueue_indirect_dma source(%arg9 : memref<128x128xf32, #tpu.memory_space<vmem>>) target(%dma_start3A_35 : memref<10016x128xf32, #tpu.memory_space<vmem_shared>>) offsets(%arg8 : memref<128xi32, #tpu.memory_space<vmem>>) semaphore(%run_scoped3A : memref<!tpu.dma_semaphore, #tpu.memory_space<semaphore_mem>>) {add = true}
        %dma_wait3A_36 = arith.constant 0 : i32
        %dma_wait3A_37 = arith.constant 0 : i32
        %dma_wait3A_38 = tpu.memref_slice %arg10[%dma_wait3A_36, %dma_wait3A_37] : memref<10016x128xf32, #tpu.memory_space<vmem_shared>> -> memref<10016x128xf32, #tpu.memory_space<vmem_shared>>
        tpu.wait_indirect_dma semaphore(%run_scoped3A : memref<!tpu.dma_semaphore, #tpu.memory_space<semaphore_mem>>) src(%arg9 : memref<128x128xf32, #tpu.memory_space<vmem>>) dst(%dma_wait3A_38 : memref<10016x128xf32, #tpu.memory_space<vmem_shared>>)
        tpu.yield
      }) : () -> ()
    }
    %scan3A_11 = arith.constant 80 : i32
    %barrier3A_12 = arith.constant 0 : index
    tpu.barrier barrier_id(%barrier3A_12)
    %mul3A_13 = arith.constant 624 : i32
    %mul3A_14 = arith.muli %arg1, %mul3A_13 : i32
    %mul3A_15 = arith.constant 10000 : i32
    %mul3A_16 = arith.muli %arg0, %mul3A_15 : i32
    %mul3A_17 = arith.constant 624 : i32
    %mul3A_18 = arith.muli %arg1, %mul3A_17 : i32
    %add3A_19 = arith.addi %mul3A_16, %mul3A_18 : i32
    "tpu.region"() ({
      %run_scoped3A = tpu.sem_alloc : memref<!tpu.dma_semaphore, #tpu.memory_space<semaphore_mem>>
      %dma_start3A = arith.constant 0 : i32
      %dma_start3A_25 = tpu.memref_slice %arg6[%add3A_19, %dma_start3A] : memref<20000x128xf32, #tpu.memory_space<hbm>> -> memref<624x128xf32, #tpu.memory_space<hbm>>
      %dma_start3A_26 = arith.constant 0 : i32
      %dma_start3A_27 = tpu.memref_slice %arg10[%mul3A_14, %dma_start3A_26] : memref<10016x128xf32, #tpu.memory_space<vmem_shared>> -> memref<624x128xf32, #tpu.memory_space<vmem_shared>>
      tpu.enqueue_dma source(%dma_start3A_27 : memref<624x128xf32, #tpu.memory_space<vmem_shared>>) target(%dma_start3A_25 : memref<624x128xf32, #tpu.memory_space<hbm>>) target_semaphore(%run_scoped3A : memref<!tpu.dma_semaphore, #tpu.memory_space<semaphore_mem>>)
      %dma_wait3A = arith.constant 0 : i32
      %dma_wait3A_28 = tpu.memref_slice %arg6[%add3A_19, %dma_wait3A] : memref<20000x128xf32, #tpu.memory_space<hbm>> -> memref<624x128xf32, #tpu.memory_space<hbm>>
      %dma_wait3A_29 = arith.constant 0 : i32
      %dma_wait3A_30 = tpu.memref_slice %arg10[%mul3A_14, %dma_wait3A_29] : memref<10016x128xf32, #tpu.memory_space<vmem_shared>> -> memref<624x128xf32, #tpu.memory_space<vmem_shared>>
      tpu.wait_dma2 semaphore(%run_scoped3A : memref<!tpu.dma_semaphore, #tpu.memory_space<semaphore_mem>>) src(%dma_wait3A_30 : memref<624x128xf32, #tpu.memory_space<vmem_shared>>) dst(%dma_wait3A_28 : memref<624x128xf32, #tpu.memory_space<hbm>>)
      tpu.yield
    }) : () -> ()
    %eq3A_20 = arith.constant 0 : i32
    %eq3A_21 = arith.cmpi eq, %arg1, %eq3A_20 : i32
    %convert_element_type3A_22 = arith.extui %eq3A_21 : i1 to i32
    %cond3A_23 = arith.constant 0 : i32
    %cond3A_24 = arith.cmpi ne, %convert_element_type3A_22, %cond3A_23 : i32
    scf.if %cond3A_24 {
      %mul3A_25 = arith.constant 10000 : i32
      %mul3A_26 = arith.muli %arg0, %mul3A_25 : i32
      %add3A_27 = arith.constant 9984 : i32
      %add3A_28 = arith.addi %mul3A_26, %add3A_27 : i32
      "tpu.region"() ({
        %run_scoped3A = tpu.sem_alloc : memref<!tpu.dma_semaphore, #tpu.memory_space<semaphore_mem>>
        %dma_start3A = arith.constant 0 : i32
        %dma_start3A_29 = tpu.memref_slice %arg6[%add3A_28, %dma_start3A] : memref<20000x128xf32, #tpu.memory_space<hbm>> -> memref<16x128xf32, #tpu.memory_space<hbm>>
        %dma_start3A_30 = arith.constant 9984 : i32
        %dma_start3A_31 = arith.constant 0 : i32
        %dma_start3A_32 = tpu.memref_slice %arg10[%dma_start3A_30, %dma_start3A_31] : memref<10016x128xf32, #tpu.memory_space<vmem_shared>> -> memref<16x128xf32, #tpu.memory_space<vmem_shared>>
        tpu.enqueue_dma source(%dma_start3A_32 : memref<16x128xf32, #tpu.memory_space<vmem_shared>>) target(%dma_start3A_29 : memref<16x128xf32, #tpu.memory_space<hbm>>) target_semaphore(%run_scoped3A : memref<!tpu.dma_semaphore, #tpu.memory_space<semaphore_mem>>)
        %dma_wait3A = arith.constant 0 : i32
        %dma_wait3A_33 = tpu.memref_slice %arg6[%add3A_28, %dma_wait3A] : memref<20000x128xf32, #tpu.memory_space<hbm>> -> memref<16x128xf32, #tpu.memory_space<hbm>>
        %dma_wait3A_34 = arith.constant 9984 : i32
        %dma_wait3A_35 = arith.constant 0 : i32
        %dma_wait3A_36 = tpu.memref_slice %arg10[%dma_wait3A_34, %dma_wait3A_35] : memref<10016x128xf32, #tpu.memory_space<vmem_shared>> -> memref<16x128xf32, #tpu.memory_space<vmem_shared>>
        tpu.wait_dma2 semaphore(%run_scoped3A : memref<!tpu.dma_semaphore, #tpu.memory_space<semaphore_mem>>) src(%dma_wait3A_36 : memref<16x128xf32, #tpu.memory_space<vmem_shared>>) dst(%dma_wait3A_33 : memref<16x128xf32, #tpu.memory_space<hbm>>)
        tpu.yield
      }) : () -> ()
    } else {
    }
    return
  }
}

#map = affine_map<(d0, d1) -> (0)>
#map1 = affine_map<(d0, d1) -> (0, 0)>
module attributes {stable_mosaic.version = 14 : i64} {
  func.func @_deg_body(%arg0: i32, %arg1: i32, %arg2: memref<327680xi32, #tpu.memory_space<hbm>>, %arg3: memref<624x128xf32, #tpu.memory_space<hbm>>, %arg4: memref<128x128xf32, #tpu.memory_space<hbm>>, %arg5: memref<20000x128xf32, #tpu.memory_space<hbm>>, %arg6: memref<128xi32, #tpu.memory_space<vmem>>, %arg7: memref<128x128xf32, #tpu.memory_space<vmem>>, %arg8: memref<10016x128xf32, #tpu.memory_space<vmem_shared>>) attributes {dimension_semantics = [#tpu.dimension_semantics<core_parallel>, #tpu.dimension_semantics<subcore_parallel>], iteration_bounds = array<i64: 2, 16>, scalar_prefetch = 0 : i64, scratch_operands = 3 : i64, tpu.core_type = #tpu.core_type<sc_vector_subcore>, window_params = [{transform_indices = #map}, {transform_indices = #map1}, {transform_indices = #map1}, {transform_indices = #map1}]} {
    %mul3A = arith.constant 2 : i32
    %mul3A_0 = arith.muli %arg1, %mul3A : i32
    %add3A = arith.addi %mul3A_0, %arg0 : i32
    %mul3A_1 = arith.constant 10240 : i32
    %mul3A_2 = arith.muli %add3A, %mul3A_1 : i32
    "tpu.region"() ({
      %run_scoped3A = tpu.sem_alloc : memref<!tpu.dma_semaphore, #tpu.memory_space<semaphore_mem>>
      tpu.enqueue_dma source(%arg4 : memref<128x128xf32, #tpu.memory_space<hbm>>) target(%arg7 : memref<128x128xf32, #tpu.memory_space<vmem>>) target_semaphore(%run_scoped3A : memref<!tpu.dma_semaphore, #tpu.memory_space<semaphore_mem>>)
      tpu.wait_dma2 semaphore(%run_scoped3A : memref<!tpu.dma_semaphore, #tpu.memory_space<semaphore_mem>>) src(%arg4 : memref<128x128xf32, #tpu.memory_space<hbm>>) dst(%arg7 : memref<128x128xf32, #tpu.memory_space<vmem>>)
      tpu.yield
    }) : () -> ()
    %mul3A_3 = arith.constant 624 : i32
    %mul3A_4 = arith.muli %arg1, %mul3A_3 : i32
    "tpu.region"() ({
      %run_scoped3A = tpu.sem_alloc : memref<!tpu.dma_semaphore, #tpu.memory_space<semaphore_mem>>
      %dma_start3A = arith.constant 0 : i32
      %dma_start3A_25 = tpu.memref_slice %arg8[%mul3A_4, %dma_start3A] : memref<10016x128xf32, #tpu.memory_space<vmem_shared>> -> memref<624x128xf32, #tpu.memory_space<vmem_shared>>
      %dma_start3A_26 = arith.constant 0 : i32
      %dma_start3A_27 = arith.constant 0 : i32
      %dma_start3A_28 = tpu.memref_slice %arg3[%dma_start3A_26, %dma_start3A_27] : memref<624x128xf32, #tpu.memory_space<hbm>> -> memref<624x128xf32, #tpu.memory_space<hbm>>
      tpu.enqueue_dma source(%dma_start3A_28 : memref<624x128xf32, #tpu.memory_space<hbm>>) target(%dma_start3A_25 : memref<624x128xf32, #tpu.memory_space<vmem_shared>>) target_semaphore(%run_scoped3A : memref<!tpu.dma_semaphore, #tpu.memory_space<semaphore_mem>>)
      %dma_wait3A = arith.constant 0 : i32
      %dma_wait3A_29 = tpu.memref_slice %arg8[%mul3A_4, %dma_wait3A] : memref<10016x128xf32, #tpu.memory_space<vmem_shared>> -> memref<624x128xf32, #tpu.memory_space<vmem_shared>>
      %dma_wait3A_30 = arith.constant 0 : i32
      %dma_wait3A_31 = arith.constant 0 : i32
      %dma_wait3A_32 = tpu.memref_slice %arg3[%dma_wait3A_30, %dma_wait3A_31] : memref<624x128xf32, #tpu.memory_space<hbm>> -> memref<624x128xf32, #tpu.memory_space<hbm>>
      tpu.wait_dma2 semaphore(%run_scoped3A : memref<!tpu.dma_semaphore, #tpu.memory_space<semaphore_mem>>) src(%dma_wait3A_32 : memref<624x128xf32, #tpu.memory_space<hbm>>) dst(%dma_wait3A_29 : memref<624x128xf32, #tpu.memory_space<vmem_shared>>)
      tpu.yield
    }) : () -> ()
    %eq3A = arith.constant 0 : i32
    %eq3A_5 = arith.cmpi eq, %arg1, %eq3A : i32
    %convert_element_type3A = arith.extui %eq3A_5 : i1 to i32
    %cond3A = arith.constant 0 : i32
    %cond3A_6 = arith.cmpi ne, %convert_element_type3A, %cond3A : i32
    scf.if %cond3A_6 {
      "tpu.region"() ({
        %run_scoped3A = tpu.sem_alloc : memref<!tpu.dma_semaphore, #tpu.memory_space<semaphore_mem>>
        %dma_start3A = arith.constant 9984 : i32
        %dma_start3A_25 = arith.constant 0 : i32
        %dma_start3A_26 = tpu.memref_slice %arg8[%dma_start3A, %dma_start3A_25] : memref<10016x128xf32, #tpu.memory_space<vmem_shared>> -> memref<16x128xf32, #tpu.memory_space<vmem_shared>>
        %dma_start3A_27 = arith.constant 0 : i32
        %dma_start3A_28 = arith.constant 0 : i32
        %dma_start3A_29 = tpu.memref_slice %arg3[%dma_start3A_27, %dma_start3A_28] : memref<624x128xf32, #tpu.memory_space<hbm>> -> memref<16x128xf32, #tpu.memory_space<hbm>>
        tpu.enqueue_dma source(%dma_start3A_29 : memref<16x128xf32, #tpu.memory_space<hbm>>) target(%dma_start3A_26 : memref<16x128xf32, #tpu.memory_space<vmem_shared>>) target_semaphore(%run_scoped3A : memref<!tpu.dma_semaphore, #tpu.memory_space<semaphore_mem>>)
        %dma_wait3A = arith.constant 9984 : i32
        %dma_wait3A_30 = arith.constant 0 : i32
        %dma_wait3A_31 = tpu.memref_slice %arg8[%dma_wait3A, %dma_wait3A_30] : memref<10016x128xf32, #tpu.memory_space<vmem_shared>> -> memref<16x128xf32, #tpu.memory_space<vmem_shared>>
        %dma_wait3A_32 = arith.constant 0 : i32
        %dma_wait3A_33 = arith.constant 0 : i32
        %dma_wait3A_34 = tpu.memref_slice %arg3[%dma_wait3A_32, %dma_wait3A_33] : memref<624x128xf32, #tpu.memory_space<hbm>> -> memref<16x128xf32, #tpu.memory_space<hbm>>
        tpu.wait_dma2 semaphore(%run_scoped3A : memref<!tpu.dma_semaphore, #tpu.memory_space<semaphore_mem>>) src(%dma_wait3A_34 : memref<16x128xf32, #tpu.memory_space<hbm>>) dst(%dma_wait3A_31 : memref<16x128xf32, #tpu.memory_space<vmem_shared>>)
        tpu.yield
      }) : () -> ()
    } else {
    }
    %barrier3A = arith.constant 0 : index
    tpu.barrier barrier_id(%barrier3A)
    %scan3A = arith.constant 0 : i32
    %scan3A_7 = arith.constant 0 : i32
    %scan3A_8 = arith.constant 80 : i32
    %scan3A_9 = arith.addi %scan3A_7, %scan3A_8 : i32
    %scan3A_10 = arith.constant 1 : i32
    scf.for %scan3A_25 = %scan3A_7 to %scan3A_9 step %scan3A_10  : i32 {
      %mul3A_26 = arith.constant 128 : i32
      %mul3A_27 = arith.muli %scan3A_25, %mul3A_26 : i32
      %add3A_28 = arith.addi %mul3A_2, %mul3A_27 : i32
      "tpu.region"() ({
        %run_scoped3A = tpu.sem_alloc : memref<!tpu.dma_semaphore, #tpu.memory_space<semaphore_mem>>
        %dma_start3A = tpu.memref_slice %arg2[%add3A_28] : memref<327680xi32, #tpu.memory_space<hbm>> -> memref<128xi32, #tpu.memory_space<hbm>>
        %dma_start3A_29 = tpu.memref_slice %arg2[%add3A_28] : memref<327680xi32, #tpu.memory_space<hbm>> -> memref<128xi32, #tpu.memory_space<hbm>>
        tpu.enqueue_dma source(%dma_start3A_29 : memref<128xi32, #tpu.memory_space<hbm>>) target(%arg6 : memref<128xi32, #tpu.memory_space<vmem>>) target_semaphore(%run_scoped3A : memref<!tpu.dma_semaphore, #tpu.memory_space<semaphore_mem>>)
        %dma_wait3A = tpu.memref_slice %arg2[%add3A_28] : memref<327680xi32, #tpu.memory_space<hbm>> -> memref<128xi32, #tpu.memory_space<hbm>>
        %dma_wait3A_30 = tpu.memref_slice %arg2[%add3A_28] : memref<327680xi32, #tpu.memory_space<hbm>> -> memref<128xi32, #tpu.memory_space<hbm>>
        tpu.wait_dma2 semaphore(%run_scoped3A : memref<!tpu.dma_semaphore, #tpu.memory_space<semaphore_mem>>) src(%dma_wait3A_30 : memref<128xi32, #tpu.memory_space<hbm>>) dst(%arg6 : memref<128xi32, #tpu.memory_space<vmem>>)
        tpu.yield
      }) : () -> ()
      "tpu.region"() ({
        %run_scoped3A = tpu.sem_alloc : memref<!tpu.dma_semaphore, #tpu.memory_space<semaphore_mem>>
        %dma_start3A = arith.constant 0 : i32
        %dma_start3A_29 = arith.constant 0 : i32
        %dma_start3A_30 = tpu.memref_slice %arg8[%dma_start3A, %dma_start3A_29] : memref<10016x128xf32, #tpu.memory_space<vmem_shared>> -> memref<10016x128xf32, #tpu.memory_space<vmem_shared>>
        tpu.enqueue_indirect_dma source(%arg7 : memref<128x128xf32, #tpu.memory_space<vmem>>) target(%dma_start3A_30 : memref<10016x128xf32, #tpu.memory_space<vmem_shared>>) offsets(%arg6 : memref<128xi32, #tpu.memory_space<vmem>>) semaphore(%run_scoped3A : memref<!tpu.dma_semaphore, #tpu.memory_space<semaphore_mem>>) {add = true}
        %dma_wait3A = arith.constant 0 : i32
        %dma_wait3A_31 = arith.constant 0 : i32
        %dma_wait3A_32 = tpu.memref_slice %arg8[%dma_wait3A, %dma_wait3A_31] : memref<10016x128xf32, #tpu.memory_space<vmem_shared>> -> memref<10016x128xf32, #tpu.memory_space<vmem_shared>>
        tpu.wait_indirect_dma semaphore(%run_scoped3A : memref<!tpu.dma_semaphore, #tpu.memory_space<semaphore_mem>>) src(%arg7 : memref<128x128xf32, #tpu.memory_space<vmem>>) dst(%dma_wait3A_32 : memref<10016x128xf32, #tpu.memory_space<vmem_shared>>)
        tpu.yield
      }) : () -> ()
    }
    %scan3A_11 = arith.constant 80 : i32
    %barrier3A_12 = arith.constant 0 : index
    tpu.barrier barrier_id(%barrier3A_12)
    %mul3A_13 = arith.constant 624 : i32
    %mul3A_14 = arith.muli %arg1, %mul3A_13 : i32
    %mul3A_15 = arith.constant 10000 : i32
    %mul3A_16 = arith.muli %arg0, %mul3A_15 : i32
    %mul3A_17 = arith.constant 624 : i32
    %mul3A_18 = arith.muli %arg1, %mul3A_17 : i32
    %add3A_19 = arith.addi %mul3A_16, %mul3A_18 : i32
    "tpu.region"() ({
      %run_scoped3A = tpu.sem_alloc : memref<!tpu.dma_semaphore, #tpu.memory_space<semaphore_mem>>
      %dma_start3A = arith.constant 0 : i32
      %dma_start3A_25 = tpu.memref_slice %arg5[%add3A_19, %dma_start3A] : memref<20000x128xf32, #tpu.memory_space<hbm>> -> memref<624x128xf32, #tpu.memory_space<hbm>>
      %dma_start3A_26 = arith.constant 0 : i32
      %dma_start3A_27 = tpu.memref_slice %arg8[%mul3A_14, %dma_start3A_26] : memref<10016x128xf32, #tpu.memory_space<vmem_shared>> -> memref<624x128xf32, #tpu.memory_space<vmem_shared>>
      tpu.enqueue_dma source(%dma_start3A_27 : memref<624x128xf32, #tpu.memory_space<vmem_shared>>) target(%dma_start3A_25 : memref<624x128xf32, #tpu.memory_space<hbm>>) target_semaphore(%run_scoped3A : memref<!tpu.dma_semaphore, #tpu.memory_space<semaphore_mem>>)
      %dma_wait3A = arith.constant 0 : i32
      %dma_wait3A_28 = tpu.memref_slice %arg5[%add3A_19, %dma_wait3A] : memref<20000x128xf32, #tpu.memory_space<hbm>> -> memref<624x128xf32, #tpu.memory_space<hbm>>
      %dma_wait3A_29 = arith.constant 0 : i32
      %dma_wait3A_30 = tpu.memref_slice %arg8[%mul3A_14, %dma_wait3A_29] : memref<10016x128xf32, #tpu.memory_space<vmem_shared>> -> memref<624x128xf32, #tpu.memory_space<vmem_shared>>
      tpu.wait_dma2 semaphore(%run_scoped3A : memref<!tpu.dma_semaphore, #tpu.memory_space<semaphore_mem>>) src(%dma_wait3A_30 : memref<624x128xf32, #tpu.memory_space<vmem_shared>>) dst(%dma_wait3A_28 : memref<624x128xf32, #tpu.memory_space<hbm>>)
      tpu.yield
    }) : () -> ()
    %eq3A_20 = arith.constant 0 : i32
    %eq3A_21 = arith.cmpi eq, %arg1, %eq3A_20 : i32
    %convert_element_type3A_22 = arith.extui %eq3A_21 : i1 to i32
    %cond3A_23 = arith.constant 0 : i32
    %cond3A_24 = arith.cmpi ne, %convert_element_type3A_22, %cond3A_23 : i32
    scf.if %cond3A_24 {
      %mul3A_25 = arith.constant 10000 : i32
      %mul3A_26 = arith.muli %arg0, %mul3A_25 : i32
      %add3A_27 = arith.constant 9984 : i32
      %add3A_28 = arith.addi %mul3A_26, %add3A_27 : i32
      "tpu.region"() ({
        %run_scoped3A = tpu.sem_alloc : memref<!tpu.dma_semaphore, #tpu.memory_space<semaphore_mem>>
        %dma_start3A = arith.constant 0 : i32
        %dma_start3A_29 = tpu.memref_slice %arg5[%add3A_28, %dma_start3A] : memref<20000x128xf32, #tpu.memory_space<hbm>> -> memref<16x128xf32, #tpu.memory_space<hbm>>
        %dma_start3A_30 = arith.constant 9984 : i32
        %dma_start3A_31 = arith.constant 0 : i32
        %dma_start3A_32 = tpu.memref_slice %arg8[%dma_start3A_30, %dma_start3A_31] : memref<10016x128xf32, #tpu.memory_space<vmem_shared>> -> memref<16x128xf32, #tpu.memory_space<vmem_shared>>
        tpu.enqueue_dma source(%dma_start3A_32 : memref<16x128xf32, #tpu.memory_space<vmem_shared>>) target(%dma_start3A_29 : memref<16x128xf32, #tpu.memory_space<hbm>>) target_semaphore(%run_scoped3A : memref<!tpu.dma_semaphore, #tpu.memory_space<semaphore_mem>>)
        %dma_wait3A = arith.constant 0 : i32
        %dma_wait3A_33 = tpu.memref_slice %arg5[%add3A_28, %dma_wait3A] : memref<20000x128xf32, #tpu.memory_space<hbm>> -> memref<16x128xf32, #tpu.memory_space<hbm>>
        %dma_wait3A_34 = arith.constant 9984 : i32
        %dma_wait3A_35 = arith.constant 0 : i32
        %dma_wait3A_36 = tpu.memref_slice %arg8[%dma_wait3A_34, %dma_wait3A_35] : memref<10016x128xf32, #tpu.memory_space<vmem_shared>> -> memref<16x128xf32, #tpu.memory_space<vmem_shared>>
        tpu.wait_dma2 semaphore(%run_scoped3A : memref<!tpu.dma_semaphore, #tpu.memory_space<semaphore_mem>>) src(%dma_wait3A_36 : memref<16x128xf32, #tpu.memory_space<vmem_shared>>) dst(%dma_wait3A_33 : memref<16x128xf32, #tpu.memory_space<hbm>>)
        tpu.yield
      }) : () -> ()
    } else {
    }
    return
  }
}

#map = affine_map<(d0, d1) -> (0, 0)>
#map1 = affine_map<(d0, d1) -> (0)>
module attributes {stable_mosaic.version = 14 : i64} {
  func.func @_seg_body(%arg0: i32, %arg1: i32, %arg2: memref<10000x128xf32, #tpu.memory_space<hbm>>, %arg3: memref<327680xi32, #tpu.memory_space<hbm>>, %arg4: memref<327680xi32, #tpu.memory_space<hbm>>, %arg5: memref<624x128xf32, #tpu.memory_space<hbm>>, %arg6: memref<20000x128xf32, #tpu.memory_space<hbm>>, %arg7: memref<128xi32, #tpu.memory_space<vmem>>, %arg8: memref<128xi32, #tpu.memory_space<vmem>>, %arg9: memref<128x128xf32, #tpu.memory_space<vmem>>, %arg10: memref<10016x128xf32, #tpu.memory_space<vmem_shared>>, %arg11: memref<!tpu.dma_semaphore, #tpu.memory_space<semaphore_mem>>) attributes {dimension_semantics = [#tpu.dimension_semantics<core_parallel>, #tpu.dimension_semantics<subcore_parallel>], iteration_bounds = array<i64: 2, 16>, scalar_prefetch = 0 : i64, scratch_operands = 5 : i64, tpu.core_type = #tpu.core_type<sc_vector_subcore>, window_params = [{transform_indices = #map}, {transform_indices = #map1}, {transform_indices = #map1}, {transform_indices = #map}, {transform_indices = #map}]} {
    %mul3A = arith.constant 2 : i32
    %mul3A_0 = arith.muli %arg1, %mul3A : i32
    %add3A = arith.addi %mul3A_0, %arg0 : i32
    %mul3A_1 = arith.constant 10240 : i32
    %mul3A_2 = arith.muli %add3A, %mul3A_1 : i32
    %mul3A_3 = arith.constant 624 : i32
    %mul3A_4 = arith.muli %arg1, %mul3A_3 : i32
    "tpu.region"() ({
      %run_scoped3A = tpu.sem_alloc : memref<!tpu.dma_semaphore, #tpu.memory_space<semaphore_mem>>
      %dma_start3A = arith.constant 0 : i32
      %dma_start3A_25 = tpu.memref_slice %arg10[%mul3A_4, %dma_start3A] : memref<10016x128xf32, #tpu.memory_space<vmem_shared>> -> memref<624x128xf32, #tpu.memory_space<vmem_shared>>
      %dma_start3A_26 = arith.constant 0 : i32
      %dma_start3A_27 = arith.constant 0 : i32
      %dma_start3A_28 = tpu.memref_slice %arg5[%dma_start3A_26, %dma_start3A_27] : memref<624x128xf32, #tpu.memory_space<hbm>> -> memref<624x128xf32, #tpu.memory_space<hbm>>
      tpu.enqueue_dma source(%dma_start3A_28 : memref<624x128xf32, #tpu.memory_space<hbm>>) target(%dma_start3A_25 : memref<624x128xf32, #tpu.memory_space<vmem_shared>>) target_semaphore(%run_scoped3A : memref<!tpu.dma_semaphore, #tpu.memory_space<semaphore_mem>>)
      %dma_wait3A = arith.constant 0 : i32
      %dma_wait3A_29 = tpu.memref_slice %arg10[%mul3A_4, %dma_wait3A] : memref<10016x128xf32, #tpu.memory_space<vmem_shared>> -> memref<624x128xf32, #tpu.memory_space<vmem_shared>>
      %dma_wait3A_30 = arith.constant 0 : i32
      %dma_wait3A_31 = arith.constant 0 : i32
      %dma_wait3A_32 = tpu.memref_slice %arg5[%dma_wait3A_30, %dma_wait3A_31] : memref<624x128xf32, #tpu.memory_space<hbm>> -> memref<624x128xf32, #tpu.memory_space<hbm>>
      tpu.wait_dma2 semaphore(%run_scoped3A : memref<!tpu.dma_semaphore, #tpu.memory_space<semaphore_mem>>) src(%dma_wait3A_32 : memref<624x128xf32, #tpu.memory_space<hbm>>) dst(%dma_wait3A_29 : memref<624x128xf32, #tpu.memory_space<vmem_shared>>)
      tpu.yield
    }) : () -> ()
    %eq3A = arith.constant 0 : i32
    %eq3A_5 = arith.cmpi eq, %arg1, %eq3A : i32
    %convert_element_type3A = arith.extui %eq3A_5 : i1 to i32
    %cond3A = arith.constant 0 : i32
    %cond3A_6 = arith.cmpi ne, %convert_element_type3A, %cond3A : i32
    scf.if %cond3A_6 {
      "tpu.region"() ({
        %run_scoped3A = tpu.sem_alloc : memref<!tpu.dma_semaphore, #tpu.memory_space<semaphore_mem>>
        %dma_start3A = arith.constant 9984 : i32
        %dma_start3A_25 = arith.constant 0 : i32
        %dma_start3A_26 = tpu.memref_slice %arg10[%dma_start3A, %dma_start3A_25] : memref<10016x128xf32, #tpu.memory_space<vmem_shared>> -> memref<16x128xf32, #tpu.memory_space<vmem_shared>>
        %dma_start3A_27 = arith.constant 0 : i32
        %dma_start3A_28 = arith.constant 0 : i32
        %dma_start3A_29 = tpu.memref_slice %arg5[%dma_start3A_27, %dma_start3A_28] : memref<624x128xf32, #tpu.memory_space<hbm>> -> memref<16x128xf32, #tpu.memory_space<hbm>>
        tpu.enqueue_dma source(%dma_start3A_29 : memref<16x128xf32, #tpu.memory_space<hbm>>) target(%dma_start3A_26 : memref<16x128xf32, #tpu.memory_space<vmem_shared>>) target_semaphore(%run_scoped3A : memref<!tpu.dma_semaphore, #tpu.memory_space<semaphore_mem>>)
        %dma_wait3A = arith.constant 9984 : i32
        %dma_wait3A_30 = arith.constant 0 : i32
        %dma_wait3A_31 = tpu.memref_slice %arg10[%dma_wait3A, %dma_wait3A_30] : memref<10016x128xf32, #tpu.memory_space<vmem_shared>> -> memref<16x128xf32, #tpu.memory_space<vmem_shared>>
        %dma_wait3A_32 = arith.constant 0 : i32
        %dma_wait3A_33 = arith.constant 0 : i32
        %dma_wait3A_34 = tpu.memref_slice %arg5[%dma_wait3A_32, %dma_wait3A_33] : memref<624x128xf32, #tpu.memory_space<hbm>> -> memref<16x128xf32, #tpu.memory_space<hbm>>
        tpu.wait_dma2 semaphore(%run_scoped3A : memref<!tpu.dma_semaphore, #tpu.memory_space<semaphore_mem>>) src(%dma_wait3A_34 : memref<16x128xf32, #tpu.memory_space<hbm>>) dst(%dma_wait3A_31 : memref<16x128xf32, #tpu.memory_space<vmem_shared>>)
        tpu.yield
      }) : () -> ()
    } else {
    }
    %barrier3A = arith.constant 0 : index
    tpu.barrier barrier_id(%barrier3A)
    %scan3A = arith.constant 0 : i32
    %scan3A_7 = arith.constant 0 : i32
    %scan3A_8 = arith.constant 80 : i32
    %scan3A_9 = arith.addi %scan3A_7, %scan3A_8 : i32
    %scan3A_10 = arith.constant 1 : i32
    scf.for %scan3A_25 = %scan3A_7 to %scan3A_9 step %scan3A_10  : i32 {
      %mul3A_26 = arith.constant 128 : i32
      %mul3A_27 = arith.muli %scan3A_25, %mul3A_26 : i32
      %add3A_28 = arith.addi %mul3A_2, %mul3A_27 : i32
      "tpu.region"() ({
        %run_scoped3A = tpu.sem_alloc : memref<!tpu.dma_semaphore, #tpu.memory_space<semaphore_mem>>
        %dma_start3A_33 = tpu.memref_slice %arg3[%add3A_28] : memref<327680xi32, #tpu.memory_space<hbm>> -> memref<128xi32, #tpu.memory_space<hbm>>
        %dma_start3A_34 = tpu.memref_slice %arg3[%add3A_28] : memref<327680xi32, #tpu.memory_space<hbm>> -> memref<128xi32, #tpu.memory_space<hbm>>
        tpu.enqueue_dma source(%dma_start3A_34 : memref<128xi32, #tpu.memory_space<hbm>>) target(%arg7 : memref<128xi32, #tpu.memory_space<vmem>>) target_semaphore(%run_scoped3A : memref<!tpu.dma_semaphore, #tpu.memory_space<semaphore_mem>>)
        %dma_wait3A_35 = tpu.memref_slice %arg3[%add3A_28] : memref<327680xi32, #tpu.memory_space<hbm>> -> memref<128xi32, #tpu.memory_space<hbm>>
        %dma_wait3A_36 = tpu.memref_slice %arg3[%add3A_28] : memref<327680xi32, #tpu.memory_space<hbm>> -> memref<128xi32, #tpu.memory_space<hbm>>
        tpu.wait_dma2 semaphore(%run_scoped3A : memref<!tpu.dma_semaphore, #tpu.memory_space<semaphore_mem>>) src(%dma_wait3A_36 : memref<128xi32, #tpu.memory_space<hbm>>) dst(%arg7 : memref<128xi32, #tpu.memory_space<vmem>>)
        tpu.yield
      }) : () -> ()
      "tpu.region"() ({
        %run_scoped3A = tpu.sem_alloc : memref<!tpu.dma_semaphore, #tpu.memory_space<semaphore_mem>>
        %dma_start3A_33 = tpu.memref_slice %arg4[%add3A_28] : memref<327680xi32, #tpu.memory_space<hbm>> -> memref<128xi32, #tpu.memory_space<hbm>>
        %dma_start3A_34 = tpu.memref_slice %arg4[%add3A_28] : memref<327680xi32, #tpu.memory_space<hbm>> -> memref<128xi32, #tpu.memory_space<hbm>>
        tpu.enqueue_dma source(%dma_start3A_34 : memref<128xi32, #tpu.memory_space<hbm>>) target(%arg8 : memref<128xi32, #tpu.memory_space<vmem>>) target_semaphore(%run_scoped3A : memref<!tpu.dma_semaphore, #tpu.memory_space<semaphore_mem>>)
        %dma_wait3A_35 = tpu.memref_slice %arg4[%add3A_28] : memref<327680xi32, #tpu.memory_space<hbm>> -> memref<128xi32, #tpu.memory_space<hbm>>
        %dma_wait3A_36 = tpu.memref_slice %arg4[%add3A_28] : memref<327680xi32, #tpu.memory_space<hbm>> -> memref<128xi32, #tpu.memory_space<hbm>>
        tpu.wait_dma2 semaphore(%run_scoped3A : memref<!tpu.dma_semaphore, #tpu.memory_space<semaphore_mem>>) src(%dma_wait3A_36 : memref<128xi32, #tpu.memory_space<hbm>>) dst(%arg8 : memref<128xi32, #tpu.memory_space<vmem>>)
        tpu.yield
      }) : () -> ()
      %dma_start3A = arith.constant 0 : i32
      %dma_start3A_29 = arith.constant 0 : i32
      %dma_start3A_30 = tpu.memref_slice %arg2[%dma_start3A, %dma_start3A_29] : memref<10000x128xf32, #tpu.memory_space<hbm>> -> memref<10000x128xf32, #tpu.memory_space<hbm>>
      tpu.enqueue_indirect_dma source(%dma_start3A_30 : memref<10000x128xf32, #tpu.memory_space<hbm>>) target(%arg9 : memref<128x128xf32, #tpu.memory_space<vmem>>) offsets(%arg7 : memref<128xi32, #tpu.memory_space<vmem>>) semaphore(%arg11 : memref<!tpu.dma_semaphore, #tpu.memory_space<semaphore_mem>>)
      %dma_wait3A = arith.constant 0 : i32
      %dma_wait3A_31 = arith.constant 0 : i32
      %dma_wait3A_32 = tpu.memref_slice %arg2[%dma_wait3A, %dma_wait3A_31] : memref<10000x128xf32, #tpu.memory_space<hbm>> -> memref<10000x128xf32, #tpu.memory_space<hbm>>
      tpu.wait_indirect_dma semaphore(%arg11 : memref<!tpu.dma_semaphore, #tpu.memory_space<semaphore_mem>>) src(%dma_wait3A_32 : memref<10000x128xf32, #tpu.memory_space<hbm>>) dst(%arg9 : memref<128x128xf32, #tpu.memory_space<vmem>>)
      "tpu.region"() ({
        %run_scoped3A = tpu.sem_alloc : memref<!tpu.dma_semaphore, #tpu.memory_space<semaphore_mem>>
        %dma_start3A_33 = arith.constant 0 : i32
        %dma_start3A_34 = arith.constant 0 : i32
        %dma_start3A_35 = tpu.memref_slice %arg10[%dma_start3A_33, %dma_start3A_34] : memref<10016x128xf32, #tpu.memory_space<vmem_shared>> -> memref<10016x128xf32, #tpu.memory_space<vmem_shared>>
        tpu.enqueue_indirect_dma source(%arg9 : memref<128x128xf32, #tpu.memory_space<vmem>>) target(%dma_start3A_35 : memref<10016x128xf32, #tpu.memory_space<vmem_shared>>) offsets(%arg8 : memref<128xi32, #tpu.memory_space<vmem>>) semaphore(%run_scoped3A : memref<!tpu.dma_semaphore, #tpu.memory_space<semaphore_mem>>) {add = true}
        %dma_wait3A_36 = arith.constant 0 : i32
        %dma_wait3A_37 = arith.constant 0 : i32
        %dma_wait3A_38 = tpu.memref_slice %arg10[%dma_wait3A_36, %dma_wait3A_37] : memref<10016x128xf32, #tpu.memory_space<vmem_shared>> -> memref<10016x128xf32, #tpu.memory_space<vmem_shared>>
        tpu.wait_indirect_dma semaphore(%run_scoped3A : memref<!tpu.dma_semaphore, #tpu.memory_space<semaphore_mem>>) src(%arg9 : memref<128x128xf32, #tpu.memory_space<vmem>>) dst(%dma_wait3A_38 : memref<10016x128xf32, #tpu.memory_space<vmem_shared>>)
        tpu.yield
      }) : () -> ()
    }
    %scan3A_11 = arith.constant 80 : i32
    %barrier3A_12 = arith.constant 0 : index
    tpu.barrier barrier_id(%barrier3A_12)
    %mul3A_13 = arith.constant 624 : i32
    %mul3A_14 = arith.muli %arg1, %mul3A_13 : i32
    %mul3A_15 = arith.constant 10000 : i32
    %mul3A_16 = arith.muli %arg0, %mul3A_15 : i32
    %mul3A_17 = arith.constant 624 : i32
    %mul3A_18 = arith.muli %arg1, %mul3A_17 : i32
    %add3A_19 = arith.addi %mul3A_16, %mul3A_18 : i32
    "tpu.region"() ({
      %run_scoped3A = tpu.sem_alloc : memref<!tpu.dma_semaphore, #tpu.memory_space<semaphore_mem>>
      %dma_start3A = arith.constant 0 : i32
      %dma_start3A_25 = tpu.memref_slice %arg6[%add3A_19, %dma_start3A] : memref<20000x128xf32, #tpu.memory_space<hbm>> -> memref<624x128xf32, #tpu.memory_space<hbm>>
      %dma_start3A_26 = arith.constant 0 : i32
      %dma_start3A_27 = tpu.memref_slice %arg10[%mul3A_14, %dma_start3A_26] : memref<10016x128xf32, #tpu.memory_space<vmem_shared>> -> memref<624x128xf32, #tpu.memory_space<vmem_shared>>
      tpu.enqueue_dma source(%dma_start3A_27 : memref<624x128xf32, #tpu.memory_space<vmem_shared>>) target(%dma_start3A_25 : memref<624x128xf32, #tpu.memory_space<hbm>>) target_semaphore(%run_scoped3A : memref<!tpu.dma_semaphore, #tpu.memory_space<semaphore_mem>>)
      %dma_wait3A = arith.constant 0 : i32
      %dma_wait3A_28 = tpu.memref_slice %arg6[%add3A_19, %dma_wait3A] : memref<20000x128xf32, #tpu.memory_space<hbm>> -> memref<624x128xf32, #tpu.memory_space<hbm>>
      %dma_wait3A_29 = arith.constant 0 : i32
      %dma_wait3A_30 = tpu.memref_slice %arg10[%mul3A_14, %dma_wait3A_29] : memref<10016x128xf32, #tpu.memory_space<vmem_shared>> -> memref<624x128xf32, #tpu.memory_space<vmem_shared>>
      tpu.wait_dma2 semaphore(%run_scoped3A : memref<!tpu.dma_semaphore, #tpu.memory_space<semaphore_mem>>) src(%dma_wait3A_30 : memref<624x128xf32, #tpu.memory_space<vmem_shared>>) dst(%dma_wait3A_28 : memref<624x128xf32, #tpu.memory_space<hbm>>)
      tpu.yield
    }) : () -> ()
    %eq3A_20 = arith.constant 0 : i32
    %eq3A_21 = arith.cmpi eq, %arg1, %eq3A_20 : i32
    %convert_element_type3A_22 = arith.extui %eq3A_21 : i1 to i32
    %cond3A_23 = arith.constant 0 : i32
    %cond3A_24 = arith.cmpi ne, %convert_element_type3A_22, %cond3A_23 : i32
    scf.if %cond3A_24 {
      %mul3A_25 = arith.constant 10000 : i32
      %mul3A_26 = arith.muli %arg0, %mul3A_25 : i32
      %add3A_27 = arith.constant 9984 : i32
      %add3A_28 = arith.addi %mul3A_26, %add3A_27 : i32
      "tpu.region"() ({
        %run_scoped3A = tpu.sem_alloc : memref<!tpu.dma_semaphore, #tpu.memory_space<semaphore_mem>>
        %dma_start3A = arith.constant 0 : i32
        %dma_start3A_29 = tpu.memref_slice %arg6[%add3A_28, %dma_start3A] : memref<20000x128xf32, #tpu.memory_space<hbm>> -> memref<16x128xf32, #tpu.memory_space<hbm>>
        %dma_start3A_30 = arith.constant 9984 : i32
        %dma_start3A_31 = arith.constant 0 : i32
        %dma_start3A_32 = tpu.memref_slice %arg10[%dma_start3A_30, %dma_start3A_31] : memref<10016x128xf32, #tpu.memory_space<vmem_shared>> -> memref<16x128xf32, #tpu.memory_space<vmem_shared>>
        tpu.enqueue_dma source(%dma_start3A_32 : memref<16x128xf32, #tpu.memory_space<vmem_shared>>) target(%dma_start3A_29 : memref<16x128xf32, #tpu.memory_space<hbm>>) target_semaphore(%run_scoped3A : memref<!tpu.dma_semaphore, #tpu.memory_space<semaphore_mem>>)
        %dma_wait3A = arith.constant 0 : i32
        %dma_wait3A_33 = tpu.memref_slice %arg6[%add3A_28, %dma_wait3A] : memref<20000x128xf32, #tpu.memory_space<hbm>> -> memref<16x128xf32, #tpu.memory_space<hbm>>
        %dma_wait3A_34 = arith.constant 9984 : i32
        %dma_wait3A_35 = arith.constant 0 : i32
        %dma_wait3A_36 = tpu.memref_slice %arg10[%dma_wait3A_34, %dma_wait3A_35] : memref<10016x128xf32, #tpu.memory_space<vmem_shared>> -> memref<16x128xf32, #tpu.memory_space<vmem_shared>>
        tpu.wait_dma2 semaphore(%run_scoped3A : memref<!tpu.dma_semaphore, #tpu.memory_space<semaphore_mem>>) src(%dma_wait3A_36 : memref<16x128xf32, #tpu.memory_space<vmem_shared>>) dst(%dma_wait3A_33 : memref<16x128xf32, #tpu.memory_space<hbm>>)
        tpu.yield
      }) : () -> ()
    } else {
    }
    return
  }
}

module attributes {stable_mosaic.version = 14 : i64} {
  func.func @_emb_body(%arg0: i32, %arg1: memref<1000x128xf32, #tpu.memory_space<vmem>>, %arg2: memref<128x128xf32, #tpu.memory_space<vmem>>, %arg3: memref<1x128xf32, #tpu.memory_space<vmem>>, %arg4: memref<1000x128xf32, #tpu.memory_space<vmem>>) attributes {dimension_semantics = [#tpu.dimension_semantics<arbitrary>], iteration_bounds = array<i64: 10>, scalar_prefetch = 0 : i64, scratch_operands = 0 : i64, tpu.core_type = #tpu.core_type<tc>, window_params = [{transform_indices = @transform_0, window_bounds = array<i64: 1000, 128>}, {pipeline_mode = #tpu.pipeline_mode<synchronous>, transform_indices = @transform_1, window_bounds = array<i64: 128, 128>}, {pipeline_mode = #tpu.pipeline_mode<synchronous>, transform_indices = @transform_2, window_bounds = array<i64: 1, 128>}, {transform_indices = @transform_3, window_bounds = array<i64: 1000, 128>}]} {
    %get3A = arith.constant 0 : index
    %get3A_0 = arith.constant 0 : index
    %get3A_1 = vector.load %arg1[%get3A, %get3A_0] : memref<1000x128xf32, #tpu.memory_space<vmem>>, vector<1000x128xf32>
    %get3A_2 = arith.constant 0 : index
    %get3A_3 = arith.constant 0 : index
    %get3A_4 = vector.load %arg2[%get3A_2, %get3A_3] : memref<128x128xf32, #tpu.memory_space<vmem>>, vector<128x128xf32>
    %dot_general3A = arith.constant dense<0.000000e+00> : vector<1000x128xf32>
    %dot_general3A_5 = tpu.matmul %get3A_1, %get3A_4, %dot_general3A {dimension_numbers = #tpu.dot_dimension_numbers<[1], [0], [0], [1], [0, 0, 1, 1], [], []>, precision = #tpu.contract_precision<fp32>, transpose_lhs_hint = false} : vector<1000x128xf32>, vector<128x128xf32>, vector<1000x128xf32> -> vector<1000x128xf32>
    %get3A_6 = arith.constant 0 : index
    %get3A_7 = arith.constant 0 : index
    %get3A_8 = vector.load %arg3[%get3A_6, %get3A_7] : memref<1x128xf32, #tpu.memory_space<vmem>>, vector<1x128xf32>
    %add3A = vector.broadcast %get3A_8 : vector<1x128xf32> to vector<1000x128xf32>
    %add3A_9 = arith.addf %dot_general3A_5, %add3A : vector<1000x128xf32>
    %swap3A = arith.constant 0 : index
    %swap3A_10 = arith.constant 0 : index
    %swap3A_11 = vector.load %arg4[%swap3A, %swap3A_10] : memref<1000x128xf32, #tpu.memory_space<vmem>>, vector<1000x128xf32>
    tpu.vector_store %arg4[%swap3A, %swap3A_10], %add3A_9 {strides = array<i32>} : memref<1000x128xf32, #tpu.memory_space<vmem>>, vector<1000x128xf32>,
    return
  }
  func.func @transform_0(%arg0: i32) -> (i32, i32) {
    %c0_i32 = arith.constant 0 : i32
    %c0_i32_0 = arith.constant 0 : i32
    return %arg0, %c0_i32 : i32, i32
  }
  func.func @transform_1(%arg0: i32) -> (i32, i32) {
    %c0_i32 = arith.constant 0 : i32
    %c0_i32_0 = arith.constant 0 : i32
    %c0_i32_1 = arith.constant 0 : i32
    return %c0_i32, %c0_i32_0 : i32, i32
  }
  func.func @transform_2(%arg0: i32) -> (i32, i32) {
    %c0_i32 = arith.constant 0 : i32
    %c0_i32_0 = arith.constant 0 : i32
    %c0_i32_1 = arith.constant 0 : i32
    return %c0_i32, %c0_i32_0 : i32, i32
  }
  func.func @transform_3(%arg0: i32) -> (i32, i32) {
    %c0_i32 = arith.constant 0 : i32
    %c0_i32_0 = arith.constant 0 : i32
    return %arg0, %c0_i32 : i32, i32
  }
}

module attributes {stable_mosaic.version = 14 : i64} {
  func.func @_layer_body(%arg0: i32, %arg1: memref<1000x128xf32, #tpu.memory_space<vmem>>, %arg2: memref<1000x128xf32, #tpu.memory_space<vmem>>, %arg3: memref<1000x128xf32, #tpu.memory_space<vmem>>, %arg4: memref<1000x128xf32, #tpu.memory_space<vmem>>, %arg5: memref<1000x128xf32, #tpu.memory_space<vmem>>, %arg6: memref<128x128xf32, #tpu.memory_space<vmem>>, %arg7: memref<128x128xf32, #tpu.memory_space<vmem>>, %arg8: memref<128x128xf32, #tpu.memory_space<vmem>>, %arg9: memref<128x128xf32, #tpu.memory_space<vmem>>, %arg10: memref<1x128xf32, #tpu.memory_space<vmem>>, %arg11: memref<1x128xf32, #tpu.memory_space<vmem>>, %arg12: memref<1000x128xf32, #tpu.memory_space<vmem>>) attributes {dimension_semantics = [#tpu.dimension_semantics<arbitrary>], iteration_bounds = array<i64: 10>, scalar_prefetch = 0 : i64, scratch_operands = 0 : i64, tpu.core_type = #tpu.core_type<tc>, window_params = [{transform_indices = @transform_0, window_bounds = array<i64: 1000, 128>}, {transform_indices = @transform_1, window_bounds = array<i64: 1000, 128>}, {transform_indices = @transform_2, window_bounds = array<i64: 1000, 128>}, {transform_indices = @transform_3, window_bounds = array<i64: 1000, 128>}, {transform_indices = @transform_4, window_bounds = array<i64: 1000, 128>}, {pipeline_mode = #tpu.pipeline_mode<synchronous>, transform_indices = @transform_5, window_bounds = array<i64: 128, 128>}, {pipeline_mode = #tpu.pipeline_mode<synchronous>, transform_indices = @transform_6, window_bounds = array<i64: 128, 128>}, {pipeline_mode = #tpu.pipeline_mode<synchronous>, transform_indices = @transform_7, window_bounds = array<i64: 128, 128>}, {pipeline_mode = #tpu.pipeline_mode<synchronous>, transform_indices = @transform_8, window_bounds = array<i64: 128, 128>}, {pipeline_mode = #tpu.pipeline_mode<synchronous>, transform_indices = @transform_9, window_bounds = array<i64: 1, 128>}, {pipeline_mode = #tpu.pipeline_mode<synchronous>, transform_indices = @transform_10, window_bounds = array<i64: 1, 128>}, {transform_indices = @transform_11, window_bounds = array<i64: 1000, 128>}]} {
    %get3A = arith.constant 0 : index
    %get3A_0 = arith.constant 0 : index
    %get3A_1 = vector.load %arg1[%get3A, %get3A_0] : memref<1000x128xf32, #tpu.memory_space<vmem>>, vector<1000x128xf32>
    %get3A_2 = arith.constant 0 : index
    %get3A_3 = arith.constant 0 : index
    %get3A_4 = vector.load %arg2[%get3A_2, %get3A_3] : memref<1000x128xf32, #tpu.memory_space<vmem>>, vector<1000x128xf32>
    %get3A_5 = arith.constant 0 : index
    %get3A_6 = arith.constant 0 : index
    %get3A_7 = vector.load %arg3[%get3A_5, %get3A_6] : memref<1000x128xf32, #tpu.memory_space<vmem>>, vector<1000x128xf32>
    %add3A = arith.addf %get3A_4, %get3A_7 : vector<1000x128xf32>
    %get3A_8 = arith.constant 0 : index
    %get3A_9 = arith.constant 0 : index
    %get3A_10 = vector.load %arg4[%get3A_8, %get3A_9] : memref<1000x128xf32, #tpu.memory_space<vmem>>, vector<1000x1xf32>
    %get3A_11 = arith.constant 0 : index
    %get3A_12 = arith.constant 0 : index
    %get3A_13 = vector.load %arg5[%get3A_11, %get3A_12] : memref<1000x128xf32, #tpu.memory_space<vmem>>, vector<1000x1xf32>
    %add3A_14 = arith.addf %get3A_10, %get3A_13 : vector<1000x1xf32>
    %get3A_15 = arith.constant 0 : index
    %get3A_16 = arith.constant 0 : index
    %get3A_17 = vector.load %arg6[%get3A_15, %get3A_16] : memref<128x128xf32, #tpu.memory_space<vmem>>, vector<128x128xf32>
    %dot_general3A = arith.constant dense<0.000000e+00> : vector<1000x128xf32>
    %dot_general3A_18 = tpu.matmul %add3A, %get3A_17, %dot_general3A {dimension_numbers = #tpu.dot_dimension_numbers<[1], [0], [0], [1], [0, 0, 1, 1], [], []>, precision = #tpu.contract_precision<fp32>, transpose_lhs_hint = false} : vector<1000x128xf32>, vector<128x128xf32>, vector<1000x128xf32> -> vector<1000x128xf32>
    %mul3A = vector.broadcast %add3A_14 : vector<1000x1xf32> to vector<1000x128xf32>
    %mul3A_19 = arith.mulf %get3A_1, %mul3A : vector<1000x128xf32>
    %get3A_20 = arith.constant 0 : index
    %get3A_21 = arith.constant 0 : index
    %get3A_22 = vector.load %arg7[%get3A_20, %get3A_21] : memref<128x128xf32, #tpu.memory_space<vmem>>, vector<128x128xf32>
    %dot_general3A_23 = arith.constant dense<0.000000e+00> : vector<1000x128xf32>
    %dot_general3A_24 = tpu.matmul %mul3A_19, %get3A_22, %dot_general3A_23 {dimension_numbers = #tpu.dot_dimension_numbers<[1], [0], [0], [1], [0, 0, 1, 1], [], []>, precision = #tpu.contract_precision<fp32>, transpose_lhs_hint = false} : vector<1000x128xf32>, vector<128x128xf32>, vector<1000x128xf32> -> vector<1000x128xf32>
    %add3A_25 = arith.addf %dot_general3A_18, %dot_general3A_24 : vector<1000x128xf32>
    %get3A_26 = arith.constant 0 : index
    %get3A_27 = arith.constant 0 : index
    %get3A_28 = vector.load %arg10[%get3A_26, %get3A_27] : memref<1x128xf32, #tpu.memory_space<vmem>>, vector<1x128xf32>
    %mul3A_29 = vector.broadcast %add3A_14 : vector<1000x1xf32> to vector<1000x128xf32>
    %mul3A_30 = vector.broadcast %get3A_28 : vector<1x128xf32> to vector<1000x128xf32>
    %mul3A_31 = arith.mulf %mul3A_29, %mul3A_30 : vector<1000x128xf32>
    %add3A_32 = arith.addf %add3A_25, %mul3A_31 : vector<1000x128xf32>
    %get3A_33 = arith.constant 0 : index
    %get3A_34 = arith.constant 0 : index
    %get3A_35 = vector.load %arg8[%get3A_33, %get3A_34] : memref<128x128xf32, #tpu.memory_space<vmem>>, vector<128x128xf32>
    %dot_general3A_36 = arith.constant dense<0.000000e+00> : vector<1000x128xf32>
    %dot_general3A_37 = tpu.matmul %get3A_1, %get3A_35, %dot_general3A_36 {dimension_numbers = #tpu.dot_dimension_numbers<[1], [0], [0], [1], [0, 0, 1, 1], [], []>, precision = #tpu.contract_precision<fp32>, transpose_lhs_hint = false} : vector<1000x128xf32>, vector<128x128xf32>, vector<1000x128xf32> -> vector<1000x128xf32>
    %get3A_38 = arith.constant 0 : index
    %get3A_39 = arith.constant 0 : index
    %get3A_40 = vector.load %arg9[%get3A_38, %get3A_39] : memref<128x128xf32, #tpu.memory_space<vmem>>, vector<128x128xf32>
    %dot_general3A_41 = arith.constant dense<0.000000e+00> : vector<1000x128xf32>
    %dot_general3A_42 = tpu.matmul %add3A_32, %get3A_40, %dot_general3A_41 {dimension_numbers = #tpu.dot_dimension_numbers<[1], [0], [0], [1], [0, 0, 1, 1], [], []>, precision = #tpu.contract_precision<fp32>, transpose_lhs_hint = false} : vector<1000x128xf32>, vector<128x128xf32>, vector<1000x128xf32> -> vector<1000x128xf32>
    %add3A_43 = arith.addf %dot_general3A_37, %dot_general3A_42 : vector<1000x128xf32>
    %get3A_44 = arith.constant 0 : index
    %get3A_45 = arith.constant 0 : index
    %get3A_46 = vector.load %arg11[%get3A_44, %get3A_45] : memref<1x128xf32, #tpu.memory_space<vmem>>, vector<1x128xf32>
    %add3A_47 = vector.broadcast %get3A_46 : vector<1x128xf32> to vector<1000x128xf32>
    %add3A_48 = arith.addf %add3A_43, %add3A_47 : vector<1000x128xf32>
    %max3A = arith.constant 0.000000e+00 : f32
    %max3A_49 = vector.broadcast %max3A : f32 to vector<1000x128xf32>
    %max3A_50 = arith.maximumf %add3A_48, %max3A_49 : vector<1000x128xf32>
    %add3A_51 = arith.addf %max3A_50, %get3A_1 : vector<1000x128xf32>
    %swap3A = arith.constant 0 : index
    %swap3A_52 = arith.constant 0 : index
    %swap3A_53 = vector.load %arg12[%swap3A, %swap3A_52] : memref<1000x128xf32, #tpu.memory_space<vmem>>, vector<1000x128xf32>
    tpu.vector_store %arg12[%swap3A, %swap3A_52], %add3A_51 {strides = array<i32>} : memref<1000x128xf32, #tpu.memory_space<vmem>>, vector<1000x128xf32>,
    return
  }
  func.func @transform_0(%arg0: i32) -> (i32, i32) {
    %c0_i32 = arith.constant 0 : i32
    %c0_i32_0 = arith.constant 0 : i32
    return %arg0, %c0_i32 : i32, i32
  }
  func.func @transform_1(%arg0: i32) -> (i32, i32) {
    %c0_i32 = arith.constant 0 : i32
    %c0_i32_0 = arith.constant 0 : i32
    return %arg0, %c0_i32 : i32, i32
  }
  func.func @transform_2(%arg0: i32) -> (i32, i32) {
    %add3A = arith.constant 10 : i32
    %add3A_0 = arith.addi %arg0, %add3A : i32
    %c0_i32 = arith.constant 0 : i32
    %c0_i32_1 = arith.constant 0 : i32
    return %add3A_0, %c0_i32 : i32, i32
  }
  func.func @transform_3(%arg0: i32) -> (i32, i32) {
    %c0_i32 = arith.constant 0 : i32
    %c0_i32_0 = arith.constant 0 : i32
    return %arg0, %c0_i32 : i32, i32
  }
  func.func @transform_4(%arg0: i32) -> (i32, i32) {
    %add3A = arith.constant 10 : i32
    %add3A_0 = arith.addi %arg0, %add3A : i32
    %c0_i32 = arith.constant 0 : i32
    %c0_i32_1 = arith.constant 0 : i32
    return %add3A_0, %c0_i32 : i32, i32
  }
  func.func @transform_5(%arg0: i32) -> (i32, i32) {
    %c0_i32 = arith.constant 0 : i32
    %c0_i32_0 = arith.constant 0 : i32
    %c0_i32_1 = arith.constant 0 : i32
    return %c0_i32, %c0_i32_0 : i32, i32
  }
  func.func @transform_6(%arg0: i32) -> (i32, i32) {
    %c0_i32 = arith.constant 0 : i32
    %c0_i32_0 = arith.constant 0 : i32
    %c0_i32_1 = arith.constant 0 : i32
    return %c0_i32, %c0_i32_0 : i32, i32
  }
  func.func @transform_7(%arg0: i32) -> (i32, i32) {
    %c0_i32 = arith.constant 0 : i32
    %c0_i32_0 = arith.constant 0 : i32
    %c0_i32_1 = arith.constant 0 : i32
    return %c0_i32, %c0_i32_0 : i32, i32
  }
  func.func @transform_8(%arg0: i32) -> (i32, i32) {
    %c0_i32 = arith.constant 0 : i32
    %c0_i32_0 = arith.constant 0 : i32
    %c0_i32_1 = arith.constant 0 : i32
    return %c0_i32, %c0_i32_0 : i32, i32
  }
  func.func @transform_9(%arg0: i32) -> (i32, i32) {
    %c0_i32 = arith.constant 0 : i32
    %c0_i32_0 = arith.constant 0 : i32
    %c0_i32_1 = arith.constant 0 : i32
    return %c0_i32, %c0_i32_0 : i32, i32
  }
  func.func @transform_10(%arg0: i32) -> (i32, i32) {
    %c0_i32 = arith.constant 0 : i32
    %c0_i32_0 = arith.constant 0 : i32
    %c0_i32_1 = arith.constant 0 : i32
    return %c0_i32, %c0_i32_0 : i32, i32
  }
  func.func @transform_11(%arg0: i32) -> (i32, i32) {
    %c0_i32 = arith.constant 0 : i32
    %c0_i32_0 = arith.constant 0 : i32
    return %arg0, %c0_i32 : i32, i32
  }
}

module attributes {stable_mosaic.version = 14 : i64} {
  func.func @_readout_body(%arg0: memref<10000x128xf32, #tpu.memory_space<vmem>>, %arg1: memref<128x128xf32, #tpu.memory_space<vmem>>, %arg2: memref<1x128xf32, #tpu.memory_space<vmem>>, %arg3: memref<128x128xf32, #tpu.memory_space<vmem>>, %arg4: memref<1x128xf32, #tpu.memory_space<vmem>>, %arg5: memref<128x128xf32, #tpu.memory_space<vmem>>, %arg6: memref<1x128xf32, #tpu.memory_space<vmem>>, %arg7: memref<8x128xf32, #tpu.memory_space<vmem>>) attributes {dimension_semantics = [], scalar_prefetch = 0 : i64, scratch_operands = 0 : i64, tpu.core_type = #tpu.core_type<tc>} {
    %get3A = arith.constant 0 : index
    %get3A_0 = arith.constant 0 : index
    %get3A_1 = vector.load %arg0[%get3A, %get3A_0] : memref<10000x128xf32, #tpu.memory_space<vmem>>, vector<10000x128xf32>
    %reduce_sum3A = arith.constant dense<0.000000e+00> : vector<128xf32>
    %reduce_sum3A_2 = vector.multi_reduction <add>, %get3A_1, %reduce_sum3A [0] : vector<10000x128xf32> to vector<128xf32>
    %broadcast_in_dim3A = vector.shape_cast %reduce_sum3A_2 : vector<128xf32> to vector<1x128xf32>
    %mul3A = arith.constant 9.99999974E-5 : f32
    %mul3A_3 = vector.broadcast %mul3A : f32 to vector<1x128xf32>
    %mul3A_4 = arith.mulf %broadcast_in_dim3A, %mul3A_3 : vector<1x128xf32>
    %get3A_5 = arith.constant 0 : index
    %get3A_6 = arith.constant 0 : index
    %get3A_7 = vector.load %arg1[%get3A_5, %get3A_6] : memref<128x128xf32, #tpu.memory_space<vmem>>, vector<128x128xf32>
    %dot_general3A = arith.constant dense<0.000000e+00> : vector<1x128xf32>
    %dot_general3A_8 = tpu.matmul %mul3A_4, %get3A_7, %dot_general3A {dimension_numbers = #tpu.dot_dimension_numbers<[1], [0], [0], [1], [0, 0, 1, 1], [], []>, precision = #tpu.contract_precision<fp32>, transpose_lhs_hint = false} : vector<1x128xf32>, vector<128x128xf32>, vector<1x128xf32> -> vector<1x128xf32>
    %get3A_9 = arith.constant 0 : index
    %get3A_10 = arith.constant 0 : index
    %get3A_11 = vector.load %arg2[%get3A_9, %get3A_10] : memref<1x128xf32, #tpu.memory_space<vmem>>, vector<1x128xf32>
    %add3A = arith.addf %dot_general3A_8, %get3A_11 : vector<1x128xf32>
    %max3A = arith.constant 0.000000e+00 : f32
    %max3A_12 = vector.broadcast %max3A : f32 to vector<1x128xf32>
    %max3A_13 = arith.maximumf %add3A, %max3A_12 : vector<1x128xf32>
    %get3A_14 = arith.constant 0 : index
    %get3A_15 = arith.constant 0 : index
    %get3A_16 = vector.load %arg3[%get3A_14, %get3A_15] : memref<128x128xf32, #tpu.memory_space<vmem>>, vector<128x128xf32>
    %dot_general3A_17 = arith.constant dense<0.000000e+00> : vector<1x128xf32>
    %dot_general3A_18 = tpu.matmul %max3A_13, %get3A_16, %dot_general3A_17 {dimension_numbers = #tpu.dot_dimension_numbers<[1], [0], [0], [1], [0, 0, 1, 1], [], []>, precision = #tpu.contract_precision<fp32>, transpose_lhs_hint = false} : vector<1x128xf32>, vector<128x128xf32>, vector<1x128xf32> -> vector<1x128xf32>
    %get3A_19 = arith.constant 0 : index
    %get3A_20 = arith.constant 0 : index
    %get3A_21 = vector.load %arg4[%get3A_19, %get3A_20] : memref<1x128xf32, #tpu.memory_space<vmem>>, vector<1x128xf32>
    %add3A_22 = arith.addf %dot_general3A_18, %get3A_21 : vector<1x128xf32>
    %max3A_23 = arith.constant 0.000000e+00 : f32
    %max3A_24 = vector.broadcast %max3A_23 : f32 to vector<1x128xf32>
    %max3A_25 = arith.maximumf %add3A_22, %max3A_24 : vector<1x128xf32>
    %get3A_26 = arith.constant 0 : index
    %get3A_27 = arith.constant 0 : index
    %get3A_28 = vector.load %arg5[%get3A_26, %get3A_27] : memref<128x128xf32, #tpu.memory_space<vmem>>, vector<128x128xf32>
    %dot_general3A_29 = arith.constant dense<0.000000e+00> : vector<1x128xf32>
    %dot_general3A_30 = tpu.matmul %max3A_25, %get3A_28, %dot_general3A_29 {dimension_numbers = #tpu.dot_dimension_numbers<[1], [0], [0], [1], [0, 0, 1, 1], [], []>, precision = #tpu.contract_precision<fp32>, transpose_lhs_hint = false} : vector<1x128xf32>, vector<128x128xf32>, vector<1x128xf32> -> vector<1x128xf32>
    %get3A_31 = arith.constant 0 : index
    %get3A_32 = arith.constant 0 : index
    %get3A_33 = vector.load %arg6[%get3A_31, %get3A_32] : memref<1x128xf32, #tpu.memory_space<vmem>>, vector<1x128xf32>
    %add3A_34 = arith.addf %dot_general3A_30, %get3A_33 : vector<1x128xf32>
    %broadcast_in_dim3A_35 = vector.shape_cast %add3A_34 : vector<1x128xf32> to vector<1x128xf32>
    %broadcast_in_dim3A_36 = vector.broadcast %broadcast_in_dim3A_35 : vector<1x128xf32> to vector<8x128xf32>
    %swap3A = arith.constant 0 : index
    %swap3A_37 = arith.constant 0 : index
    %swap3A_38 = vector.load %arg7[%swap3A, %swap3A_37] : memref<8x128xf32, #tpu.memory_space<vmem>>, vector<8x128xf32>
    tpu.vector_store %arg7[%swap3A, %swap3A_37], %broadcast_in_dim3A_36 {strides = array<i32>} : memref<8x128xf32, #tpu.memory_space<vmem>>, vector<8x128xf32>,
    return
  }
}

</mosaic_0001>

<sc_bundles>
// kernel: kernel.11.cloned.1.call-start
scs
__scs_entry_jumppad:
0x0: {  	(pc) =	sbr.rel $0x88, $3  }
0x1: {  	(tag) =	ssettag $0x0;
	lr =	simm.s32 $0x1  }
0x2: {  	[smem:$0x3F93] =	sst lr;
	_ =	strace $0xD0000000  }
0x3: {  	_ = 	snop  }
0x4: {  	_ = 	snop  }
0x5: {  	_ = 	snop  }
0x6: {  	_ = 	snop  }
0x7: {  	_ = 	snop  }
__scs_overlays_trampoline_lowered:
0x8: {  	[smem:$0x3FA2] =	sst s0  }
0x9: {  	[smem:$0x3FA3] =	sst s1  }
0xa: {  	[smem:$0x3FA4] =	sst s2  }
0xb: {  	[smem:$0x3FA5] =	sst s3  }
0xc: {  	[smem:$0x3FA6] =	sst s4  }
0xd: {  	[smem:$0x3FA7] =	sst s5  }
0xe: {  	[smem:$0x3FA8] =	sst s6  }
0xf: {  	[smem:$0x3FA9] =	sst s7  }
0x10: {  	[smem:$0x3FAA] =	sst s8  }
0x11: {  	[smem:$0x3FAB] =	sst s9;
	s0 =	simm.s32 @!p0 $0x0  }
0x12: {  	s1 =	sld [smem:$0x3F91];
	s0 =	simm.s32 @p0 $0x1  }
0x13: {  	[smem:$0x3FAC] =	sst s0;
	s0 =	simm.s32 @!p1 $0x0  }
0x14: {  	s2 =	sld [smem:$0x3F90];
	s0 =	simm.s32 @p1 $0x1  }
0x15: {  	[smem:$0x3FAD] =	sst s0;
	s0 =	simm.s32 @!p2 $0x0  }
0x16: {  	s3 =	sld [smem:$0x3FDB];
	s0 =	simm.s32 @p2 $0x1  }
0x17: {  	s4 =	simm.s32 $0x1BF5;
	[smem:$0x3FAF] =	sst s0  }
0x18: {  	s0 =	sld [smem:$0x3F92];
	_ =	swait.ge [sflag:s4], $0x0  }
0x19: {  	s7 =	sld [smem:$0x3F93]  }
0x1a: {  	s8 =	sadd.s32 $0xFFFFE003, lr  }
0x1b: {  	s9 =	sadd.s32 $0xFFFFFEF7, lr;
	s5 =	simm.s32 $0xFFFFFFFF;
	p2 =	slt.u32 s8, $0xFFFFF086  }
0x1c: {  	p1 =	slt.u32 s9, $0xF7A;
	s5 =	simm.s32 @!p2 $0x0  }
0x1d: {  	s5 =	simm.s32 @p1 $0x1;
	p0 =	seq.s32 s7, s2  }
0x1e: {  	s7 =	smul.u32 @!p0 $0xF7A, s2;
	p2 =	seq.s32 @!p0 s5, $0x0  }
0x1f: {  	s9 =	smul.u32 $0xF7A, s1;
	s8 =	simm.s32 @!p0 $0x1BF5;
	p2 =	por !p2, p0  }
0x20: {  	[sflag:s8] =	ssyncset.s32 @!p0 $0xFFFFF086;
	s6 =	sadd.s32 @!p0 s3, s7;
	s7 =	simm.s32 @!p0 $0x108  }
0x21: {  	s3 =	sadd.s32 s3, s9;
	s6 =	sadd.s32 @!p0 $0x88, s6;
	s7 =	simm.s32 @p2 $0x1082  }
0x22: {  	[simem:s7], [sflag:s8] =	dma.local @!p0 [hbm:s6], $0xF7A  }
0x23: {  	s9 =	sor.u32 $0xD0000000, s2;
	s6 =	simm.s32 $0x108;
	_ =	swait.ge @!p0 [sflag:s8], $0x0  }
0x24: {  	s3 =	sadd.s32 $0x88, s3;
	s6 =	simm.s32 @!p1 $0x1082;
	[sflag:s4] =	ssyncset.s32 $0xFFFFF086  }
0x25: {  	[simem:s6], [sflag:s4] =	dma.local [hbm:s3], $0xF7A  }
0x26: {  	[smem:$0x3F93] =	sst s1;
	(tag) =	ssettag s2;
	_ =	strace s9  }
0x27: {  	s1 =	sld [smem:$0x3FA3]  }
0x28: {  	s2 =	sld [smem:$0x3FA4]  }
0x29: {  	s4 =	sld [smem:$0x3FA6]  }
0x2a: {  	p0 =	seq.s32 s5, $0x0;
	s5 =	sld [smem:$0x3FA7]  }
0x2b: {  	s6 =	sld [smem:$0x3FA8]  }
0x2c: {  	s7 =	sld [smem:$0x3FA9]  }
0x2d: {  	s3 =	simm.s32 $0x108;
	s8 =	sld [smem:$0x3FAA]  }
0x2e: {  	s3 =	simm.s32 @!p0 $0x1082;
	s9 =	sld [smem:$0x3FAB]  }
0x2f: {  	lr =	sadd.s32 s0, s3;
	s0 =	sld [smem:$0x3FA2]  }
0x30: {  	s3 =	sld [smem:$0x3FA5]  }
0x31: {  	[smem:$0x3FAE] =	sst s10  }
0x32: {  	s10 =	sld [smem:$0x3FAC];
	_ =	sdelay $0x3  }
0x33: {  	p0 =	seq.s32 s10, $0x1;
	s10 =	sld [smem:$0x3FAE];
	_ =	sdelay $0x3  }
0x34: {  	[smem:$0x3FAE] =	sst s10  }
0x35: {  	s10 =	sld [smem:$0x3FAD];
	_ =	sdelay $0x3  }
0x36: {  	p1 =	seq.s32 s10, $0x1;
	s10 =	sld [smem:$0x3FAE];
	_ =	sdelay $0x3  }
0x37: {  	[smem:$0x3FAE] =	sst s10  }
0x38: {  	s10 =	sld [smem:$0x3FAF]  }
0x39: {  	_ = 	snop;
	(pc) =	sbr.ind lr, $3  }
0x3a: {  	_ = 	snop  }
0x3b: {  	_ = 	snop  }
0x3c: {  	p2 =	seq.s32 s10, $0x1;
	s10 =	sld [smem:$0x3FAE]  }
0x3d: {  	_ =	shalt  }
0x3e: {  	_ =	shalt  }
0x3f: {  	_ =	shalt  }
0x40: {  	_ =	shalt  }
0x41: {  	_ =	shalt  }
0x42: {  	_ =	shalt  }
0x43: {  	_ =	shalt  }
0x44: {  	_ =	shalt  }
0x45: {  	_ =	shalt  }
0x46: {  	_ =	shalt  }
0x47: {  	_ =	shalt  }
0x48: {  	_ =	shalt  }
0x49: {  	_ =	shalt  }
0x4a: {  	_ =	shalt  }
0x4b: {  	_ =	shalt  }
0x4c: {  	_ =	shalt  }
0x4d: {  	_ =	shalt  }
0x4e: {  	_ =	shalt  }
0x4f: {  	_ =	shalt  }
0x50: {  	_ =	shalt  }
0x51: {  	_ =	shalt  }
0x52: {  	_ =	shalt  }
0x53: {  	_ =	shalt  }
0x54: {  	_ =	shalt  }
0x55: {  	_ =	shalt  }
0x56: {  	_ =	shalt  }
0x57: {  	_ =	shalt  }
0x58: {  	_ =	shalt  }
0x59: {  	_ =	shalt  }
0x5a: {  	_ =	shalt  }
0x5b: {  	_ =	shalt  }
0x5c: {  	_ =	shalt  }
0x5d: {  	_ =	shalt  }
0x5e: {  	_ =	shalt  }
0x5f: {  	_ =	shalt  }
0x60: {  	_ =	shalt  }
0x61: {  	_ =	shalt  }
0x62: {  	_ =	shalt  }
0x63: {  	_ =	shalt  }
0x64: {  	_ =	shalt  }
0x65: {  	_ =	shalt  }
0x66: {  	_ =	shalt  }
0x67: {  	_ =	shalt  }
0x68: {  	_ =	shalt  }
0x69: {  	_ =	shalt  }
0x6a: {  	_ =	shalt  }
0x6b: {  	_ =	shalt  }
0x6c: {  	_ =	shalt  }
0x6d: {  	_ =	shalt  }
0x6e: {  	_ =	shalt  }
0x6f: {  	_ =	shalt  }
0x70: {  	_ =	shalt  }
0x71: {  	_ =	shalt  }
0x72: {  	_ =	shalt  }
0x73: {  	_ =	shalt  }
0x74: {  	_ =	shalt  }
0x75: {  	_ =	shalt  }
0x76: {  	_ =	shalt  }
0x77: {  	_ =	shalt  }
0x78: {  	_ =	shalt  }
0x79: {  	_ =	shalt  }
0x7a: {  	_ =	shalt  }
0x7b: {  	_ =	shalt  }
0x7c: {  	_ =	shalt  }
0x7d: {  	_ =	shalt  }
0x7e: {  	_ =	shalt  }
0x7f: {  	_ =	shalt  }
0x80: {  	_ =	shalt  }
0x81: {  	_ =	shalt  }
0x82: {  	_ =	shalt  }
0x83: {  	_ =	shalt  }
0x84: {  	_ =	shalt  }
0x85: {  	_ =	shalt  }
0x86: {  	_ =	shalt  }
0x87: {  	_ =	shalt  }
.Lfunc_end0:
.L_simem_size_0:
called_computation_lowered:
.L_overlay_start_0:
0x88: {  	s2 =	sld [smem:$0x3FD9]  }
0x89: {  	s3 =	sld [smem:$0x3FFE];
	_ =	sdelay $0x1  }
0x8a: {  	s1 =	srdreg.scid  }
0x8b: {  	s0 =	sand.u32 $0x1, s1  }
0x8c: {  	s17 =	sshll.u32 s0, $0xA;
	s2 =	sadd.s32 s3, s2  }
0x8d: {  	s2 =	sadd.s32 s2, s17  }
0x8e: {  	[smem:$0x3FBA] =	sst s2  }
0x8f: {  	_ = 	snop  }
0x90: {  	(tm) =	ssettm $0x1  }
0x91: {  	s18 =	sld [smem:$0x3FFB];
	_ =	sdelay $0x3  }
0x92: {  	_ =	strace s18  }
0x93: {  	s2 =	sld [smem:$0x3FFC];
	_ =	sdelay $0x3  }
0x94: {  	_ =	strace s2  }
0x95: {  	s2 =	sld [smem:$0x3FFD];
	_ =	sdelay $0x3  }
0x96: {  	_ =	strace s2  }
0x97: {  	_ =	strace $0x8FFFFFFF  }
0x98: {  	s19 =	sld [smem:$0x3FDB];
	_ =	sdelay $0x1  }
0x99: {  	s20 =	simm.s32 $_scs_section_size  }
0x9a: {  	s4 =	simm.s32 $_size__tile_overlayer_lowered;
	s5 =	simm.s32 $_tile_overlayer_lowered  }
0x9b: {  	s6 =	simm.s32 $0x1BFF;
	s21 =	sshll.u32 s5, $0x1;
	s3 =	sadd.s32 s20, s19  }
0x9c: {  	s22 =	simm.s32 $0x0;
	s4 =	sshll.u32 s4, $0x1;
	s5 =	sadd.s32 s21, s3  }
0x9d: {  	[timem:s22], [sflag:s6] =	dma.local [hbm:s5], s4  }
0x9e: {  	_ =	swait.ge [sflag:s6], s4  }
0x9f: {  	s4 =	ssub.s32 $0x0, s4;
	[sflag:s6] =	ssyncset.done $0x0  }
0xa0: {  	[sflag:s6] =	ssyncadd.s32 s4;
	_ =	sdelay $0x1  }
0xa1: {  	s23 =	simm.s32 $0x1B8B  }
0xa2: {  	_ =	swait.ge [sflag:s23], $0x1  }
0xa3: {  	[sflag:s23] =	ssyncset.done $0x0  }
0xa4: {  	[sflag:s23] =	ssyncadd.s32 $0xFFFFFFFF  }
0xa5: {  	s4 =	sld [smem:$0x0]  }
0xa6: {  	s5 =	sand.u32 $0xFFFFFFFE, s1  }
0xa7: {  	p0 =	sne.s32 s1, s5  }
0xa8: {  	s5 =	sshll.u32 @p0 s5, $0xE  }
0xa9: {  	s5 =	sadd.s32 @p0 $0x11B8D, s5;
	s6 =	sshll.u32 @p0 s4, $0x11  }
0xaa: {  	s5 =	sor.u32 @p0 s6, s5  }
0xab: {  	[sflag:s5] =	ssyncadd.remote.s32 @p0 $0x1;
	_ =	sdelay $0x1  }
0xac: {  	s5 =	simm.s32 @p0 $0x1B8D  }
0xad: {  	_ =	swait.eq @p0 [sflag:s5], $0x1  }
0xae: {  	[sflag:s5] =	ssyncadd.s32 @p0 $0xFFFFFFFF  }
0xaf: {  	s6 =	sshll.u32 @!p0 s1, $0xE  }
0xb0: {  	s6 =	sor.u32 @!p0 $0x4000, s6;
	s5 =	simm.s32 @!p0 $0x1B8D  }
0xb1: {  	s4 =	sshll.u32 @!p0 s4, $0x11;
	s6 =	sadd.s32 @!p0 $0x11B8D, s6;
	_ =	swait.eq @!p0 [sflag:s5], $0x1  }
0xb2: {  	s4 =	sor.u32 @!p0 s4, s6;
	[sflag:s5] =	ssyncadd.s32 @!p0 $0xFFFFFFFF  }
0xb3: {  	s25 =	simm.s32 $0x1B8E;
	s24 =	sld [smem:$0x3FFE];
	[sflag:s4] =	ssyncadd.remote.s32 @!p0 $0x1  }
0xb4: {  	s26 =	simm.s32 $execute0_lowered;
	[smem:$0x3FD2] =	sst s25  }
0xb5: {  	s5 =	sshll.u32 s26, $0x1;
	_ =	strace $0x80000049;
	[dreg:$0x1] =	wrdreg $0xFFFFFFFF  }
0xb6: {  	s28 =	simm.s32 $_size_execute0_lowered;
	s3 =	sadd.s32 s3, s5;
	[dreg:$0x0] =	wrdreg $0x0  }
0xb7: {  	s5 =	sshll.u32 s28, $0x1;
	[dreg:$0x2] =	wrdreg s3  }
0xb8: {  	[dreg:$0x3] =	wrdreg s5  }
0xb9: {  	[dreg:$0x4] =	wrdreg $0xC0  }
0xba: {  	_ =	task [dreg:s22], $0x5FFFF  }
0xbb: {  	[dreg:$0x1] =	wrdreg $0xFFFFFFFF  }
0xbc: {  	[dreg:$0x0] =	wrdreg $0x60  }
0xbd: {  	[dreg:$0x2] =	wrdreg s24  }
0xbe: {  	[dreg:$0x3] =	wrdreg $0x40800  }
0xbf: {  	[dreg:$0x4] =	wrdreg $0x9  }
0xc0: {  	_ =	task.clear_ibuf [dreg:s22], $0x5FFFF;
	_ =	strace $0x90000049  }
0xc1: {  	s29 =	simm.s32 $0x9;
	_ =	strace $0x8000004B  }
0xc2: {  	_ =	swait.ge [sflag:s29], $0x1  }
0xc3: {  	[sflag:s29] =	ssyncadd.s32 $0xFFFFFFFF  }
0xc4: {  	_ =	strace $0x9000004B  }
0xc5: {  	_ =	sfence  }
0xc6: {  	s30 =	sld [smem:$0x0];
	_ =	sdelay $0x2  }
0xc7: {  	s31 =	sshll.u32 s1, $0xD;
	s1 =	sshrl.u32 s1, $0x2  }
0xc8: {  	s4 =	sand.u32 $0x4000, s31;
	s1 =	sadd.s32 s1, s30  }
0xc9: {  	s0 =	sor.u32 s4, s0;
	s1 =	sshll.u32 s1, $0x11  }
0xca: {  	s0 =	sor.u32 s1, s0  }
0xcb: {  	s0 =	sadd.s32 $0x8F2B, s0  }
0xcc: {  	[sflag:s0] =	ssyncadd.remote.s32 $0x1  }
0xcd: {  	_ =	sfence.sel $0xFFFF  }
0xce: {  	[dreg:$0x0] =	wrdreg $0xFFFFFFFF;
	(pc) =	sbr.abs _section_cstart, $3  }
0xcf: {  	[dreg:$0x1] =	wrdreg $0xFFFFFFFF  }
0xd0: {  	_ =	task.clear_ibuf [dreg:s22], $0x2FFFF;
	_ =	strace $0x9FFFFFFF  }
0xd1: {  	(tm) =	ssettm $0x7FFFFFFF  }
tec
execute0_lowered:
.L_overlay_start_1:
0x0: {  	(tag) =	ssettag $0x1  }
0x1: {  	s5 =	rddreg [dreg:$0x0]  }
0x2: {  	s1 =	rddreg [dreg:$0x1];
	s9 =	stileid.u32  }
0x3: {  	s0 =	rddreg [dreg:$0x2];
	s3 =	smul.u32 $0xA00, s9  }
0x4: {  	s2 =	simm.s32 $0x0;
	s4 =	srdreg.scid;
	s6 =	smul.u32 $0x2700, s9  }
0x5: {  	[smem:$0x7FF] =	sst s2;
	s7 =	sand.u32 $0x1, s4;
	s10 =	smul.u32 $0x4E000, s9  }
0x6: {  	s4 =	sadd.s32 $0x90400, s5;
	s15 =	sadd.s32 $0x90C00, s5;
	p0 =	sne.s32 s9, $0x0  }
0x7: {  	s31 =	sshll.u32 s9, $0x6;
	s9 =	simm.s32 $0x80;
	s12 =	smul.u32 $0x27100, s7  }
0x8: {  	_ =	strace $0x8000004A;
	s11 =	ssub.s32 $0x2, s7;
	s14 =	smul.u32 $0x138800, s7  }
0x9: {  	s30 =	smul.u32 $0x500, s7;
	s8 =	sadd.s32 s3, s5;
	s13 =	sshrl.u32 s11, $0x1  }
0xa: {  	s3 =	sadd.s32 $0x3FA00, s5;
	s10 =	sshrl.u32 s10, $0x2;
	s11 =	ssub.s32 s11, s13  }
0xb: {  	s26 =	sadd.s32 s10, s1;
	s28 =	sadd.s32 s6, s12;
	s29 =	sshrl.u32 s14, $0x3  }
0xc: {  	s14 =	sadd.s32 $0x138000, s1;
	s8 =	sadd.s32 s30, s8;
	s10 =	simm.s32 $0x1  }
0xd: {  	s5 =	sadd.s32 s15, s28;
	s6 =	sadd.s32 s15, s29;
	s7 =	smax.u32 s11, $0x1  }
0xe: {  	s8 =	sadd.s32 $0x4800, s8;
	s11 =	sor.u32 $0x1C01, s31;
	s12 =	sshrl.u32 s26, $0x3  }
0xf: {  	s13 =	sshrl.u32 @!p0 s14, $0x3;
	s14 =	simm.s32 $0x0;
	s6 =	sadd.s32 $0x27000, s6  }
.LBB2_1:
0x10: {  	[tilespmem:s9], [sflag:$0x1] =	stream.linear.gather [hbm4b:s4+s2], $0x4000, $0x38;
	[tilespmem:$0x17980] =	vst v63  }
0x11: {  	_ =	swait.ge [sflag:s10], $0x4000  }
0x12: {  	[sflag:s10] =	ssyncset.done $0x0  }
0x13: {  	[sflag:s10] =	ssyncadd.s32 $0xFFFFC000  }
0x14: {  	[spmem:s12], [sflag:s11] =	dma.local [hbm:s3], $0x2700  }
0x15: {  	_ =	swait.ge [sflag:s10], $0x2700  }
0x16: {  	[sflag:s10] =	ssyncset.done $0x0  }
0x17: {  	s15 =	simm.s32 @!p0 $0x1;
	[sflag:s10] =	ssyncadd.s32 $0xFFFFD900  }
0x18: {  	[spmem:s13], [sflag:s11] =	dma.local @!p0 [hbm:s3], $0x100  }
0x19: {  	_ =	swait.ge @!p0 [sflag:s15], $0x100  }
0x1a: {  	[sflag:s15] =	ssyncset.done @!p0 $0x0  }
0x1b: {  	[sflag:s15] =	ssyncadd.s32 @!p0 $0xFFFFFF00  }
0x1c: {  	s31 =	sadd.s32 $0x0, s8;
	[bflag:$0x0] =	sbarrier.arrive $0xFFFF  }
0x1d: {  	[tilespmem:s2], [sflag:$0x1] =	stream.linear.gather [hbm4b:s31+s2], $0x80, $0x38;
	[tilespmem:$0x17980] =	vst v63  }
0x1e: {  	_ =	swait.ge [sflag:s10], $0x80  }
0x1f: {  	[sflag:s10] =	ssyncset.done $0x0  }
0x20: {  	[sflag:s10] =	ssyncadd.s32 $0xFFFFFF80  }
0x21: {  	[spmem:s1] =	stream.indirect.scatter.add.f32 [tilespmem:s9], [sflag:$0x1], $0x80, s2, s9, $0xb8;
	[tilespmem:$0x17980] =	vst v63  }
0x22: {  	_ =	swait.ge [sflag:s10], $0x4000  }
0x23: {  	s16 =	simm.s32 $0x20;
	s15 =	simm.s32 $0x10;
	[sflag:s10] =	ssyncset.done $0x0  }
.LBB2_2:
0x24: {  	s17 =	sadd.s32 s15, s8  }
0x25: {  	[sflag:s10] =	ssyncadd.s32 $0xFFFFC000;
	s15 =	smov.u32 s16;
	s18 =	sadd.s32 $0x10, s16  }
0x26: {  	[tilespmem:s2], [sflag:$0x1] =	stream.linear.gather [hbm4b:s17+s2], $0x80, $0x38;
	[tilespmem:$0x17980] =	vst v63  }
0x27: {  	p1 =	sne.s32 s16, $0x4F0;
	_ =	swait.ge [sflag:s10], $0x80  }
.Ltmp0:
0x28: {  	[sflag:s10] =	ssyncset.done $0x0;
	(pc) =	sbr.rel @p1 .LBB2_2-.Ltmp0, $4  }
0x29: {  	[sflag:s10] =	ssyncadd.s32 $0xFFFFFF80  }
0x2a: {  	[spmem:s1] =	stream.indirect.scatter.add.f32 [tilespmem:s9], [sflag:$0x1], $0x80, s2, s9, $0xb8;
	[tilespmem:$0x17980] =	vst v63  }
0x2b: {  	_ =	swait.ge [sflag:s10], $0x4000  }
0x2c: {  	s16 =	smov.u32 s18;
	[sflag:s10] =	ssyncset.done $0x0  }
0x2d: {  	s15 =	sadd.s32 s15, s8;
	[sflag:s10] =	ssyncadd.s32 $0xFFFFC000  }
0x2e: {  	[tilespmem:s2], [sflag:$0x1] =	stream.linear.gather [hbm4b:s15+s2], $0x80, $0x38;
	[tilespmem:$0x17980] =	vst v63  }
0x2f: {  	_ =	swait.ge [sflag:s10], $0x80  }
0x30: {  	[sflag:s10] =	ssyncset.done $0x0  }
0x31: {  	[sflag:s10] =	ssyncadd.s32 $0xFFFFFF80  }
0x32: {  	[spmem:s1] =	stream.indirect.scatter.add.f32 [tilespmem:s9], [sflag:$0x1], $0x80, s2, s9, $0xb8;
	[tilespmem:$0x17980] =	vst v63  }
0x33: {  	_ =	swait.ge [sflag:s10], $0x4000  }
0x34: {  	[sflag:s10] =	ssyncset.done $0x0  }
0x35: {  	[sflag:s10] =	ssyncadd.s32 $0xFFFFC000  }
0x36: {  	[bflag:$0x0] =	sbarrier.arrive $0xFFFF  }
0x37: {  	[hbm:s5], [sflag:s11] =	dma.local [spmem:s12], $0x2700  }
0x38: {  	s14 =	sadd.s32 $0x1, s14;
	_ =	swait.ge [sflag:s10], $0x2700  }
0x39: {  	p1 =	sne.s32 s14, s7;
	[sflag:s10] =	ssyncset.done $0x0  }
.Ltmp1:
0x3a: {  	s15 =	simm.s32 @!p0 $0x1;
	[sflag:s10] =	ssyncadd.s32 $0xFFFFD900;
	(pc) =	sbr.rel @p1 .LBB2_1-.Ltmp1, $4  }
0x3b: {  	[hbm:s6], [sflag:s11] =	dma.local @!p0 [spmem:s13], $0x100  }
0x3c: {  	_ =	swait.ge @!p0 [sflag:s15], $0x100  }
0x3d: {  	[sflag:s15] =	ssyncset.done @!p0 $0x0  }
0x3e: {  	[sflag:s15] =	ssyncadd.s32 @!p0 $0xFFFFFF00  }
0x3f: {  	_ =	sfence.sel $0x180000  }
0x40: {  	[bflag:$0x0] =	sbarrier.arrive $0xFFFF  }
0x41: {  	_ =	strace $0x9000004A  }
0x42: {  	s0 =	sadd.s32 @!p0 $0x100000, s0;
	[bflag:$0x2] =	sbarrier.arrive $0xFFFF  }
0x43: {  	[sflag:s0] =	ssyncadd.tile.s32 @!p0 $0x1;
	_ =	shalt  }
.Lfunc_end2:
_tile_overlayer_lowered:
.L_overlay_start_2:
0x44: {  	(tag) =	ssettag $0x2  }
0x45: {  	s0 =	rddreg [dreg:$0x0];
	s2 =	stileid.u32  }
0x46: {  	s1 =	rddreg [dreg:$0x1];
	p0 =	sne.s32 s2, $0x0  }
0x47: {  	s3 =	rddreg [dreg:$0x2];
	[bflag:$0x3] =	sbarrier.arrive $0xFFFF;
	s2 =	simm.s32 @!p0 $0x1C01  }
0x48: {  	[timem:s3], [sflag:s2] =	dma.local @!p0 [hbm:s0], s1  }
0x49: {  	s0 =	simm.s32 @!p0 $0x1  }
0x4a: {  	_ =	swait.ge @!p0 [sflag:s0], s1  }
0x4b: {  	s1 =	ssub.s32 @!p0 $0x0, s1;
	[sflag:s0] =	ssyncset.done @!p0 $0x0  }
0x4c: {  	[sflag:s0] =	ssyncadd.s32 @!p0 s1  }
0x4d: {  	[bflag:$0x3] =	sbarrier.arrive $0xFFFF  }
0x4e: {  	_ =	shalt  }

// kernel: kernel.14.cloned.1.call-start
scs
__scs_entry_jumppad:
0x0: {  	(pc) =	sbr.rel $0x88, $3  }
0x1: {  	(tag) =	ssettag $0x0;
	lr =	simm.s32 $0x1  }
0x2: {  	[smem:$0x3F93] =	sst lr;
	_ =	strace $0xD0000000  }
0x3: {  	_ = 	snop  }
0x4: {  	_ = 	snop  }
0x5: {  	_ = 	snop  }
0x6: {  	_ = 	snop  }
0x7: {  	_ = 	snop  }
__scs_overlays_trampoline_lowered:
0x8: {  	[smem:$0x3FA2] =	sst s0  }
0x9: {  	[smem:$0x3FA3] =	sst s1  }
0xa: {  	[smem:$0x3FA4] =	sst s2  }
0xb: {  	[smem:$0x3FA5] =	sst s3  }
0xc: {  	[smem:$0x3FA6] =	sst s4  }
0xd: {  	[smem:$0x3FA7] =	sst s5  }
0xe: {  	[smem:$0x3FA8] =	sst s6  }
0xf: {  	[smem:$0x3FA9] =	sst s7  }
0x10: {  	[smem:$0x3FAA] =	sst s8  }
0x11: {  	[smem:$0x3FAB] =	sst s9;
	s0 =	simm.s32 @!p0 $0x0  }
0x12: {  	s1 =	sld [smem:$0x3F91];
	s0 =	simm.s32 @p0 $0x1  }
0x13: {  	[smem:$0x3FAC] =	sst s0;
	s0 =	simm.s32 @!p1 $0x0  }
0x14: {  	s2 =	sld [smem:$0x3F90];
	s0 =	simm.s32 @p1 $0x1  }
0x15: {  	[smem:$0x3FAD] =	sst s0;
	s0 =	simm.s32 @!p2 $0x0  }
0x16: {  	s3 =	sld [smem:$0x3FDB];
	s0 =	simm.s32 @p2 $0x1  }
0x17: {  	s4 =	simm.s32 $0x1BF5;
	[smem:$0x3FAF] =	sst s0  }
0x18: {  	s0 =	sld [smem:$0x3F92];
	_ =	swait.ge [sflag:s4], $0x0  }
0x19: {  	s7 =	sld [smem:$0x3F93]  }
0x1a: {  	s8 =	sadd.s32 $0xFFFFE003, lr  }
0x1b: {  	s9 =	sadd.s32 $0xFFFFFEF7, lr;
	s5 =	simm.s32 $0xFFFFFFFF;
	p2 =	slt.u32 s8, $0xFFFFF086  }
0x1c: {  	p1 =	slt.u32 s9, $0xF7A;
	s5 =	simm.s32 @!p2 $0x0  }
0x1d: {  	s5 =	simm.s32 @p1 $0x1;
	p0 =	seq.s32 s7, s2  }
0x1e: {  	s7 =	smul.u32 @!p0 $0xF7A, s2;
	p2 =	seq.s32 @!p0 s5, $0x0  }
0x1f: {  	s9 =	smul.u32 $0xF7A, s1;
	s8 =	simm.s32 @!p0 $0x1BF5;
	p2 =	por !p2, p0  }
0x20: {  	[sflag:s8] =	ssyncset.s32 @!p0 $0xFFFFF086;
	s6 =	sadd.s32 @!p0 s3, s7;
	s7 =	simm.s32 @!p0 $0x108  }
0x21: {  	s3 =	sadd.s32 s3, s9;
	s6 =	sadd.s32 @!p0 $0x88, s6;
	s7 =	simm.s32 @p2 $0x1082  }
0x22: {  	[simem:s7], [sflag:s8] =	dma.local @!p0 [hbm:s6], $0xF7A  }
0x23: {  	s9 =	sor.u32 $0xD0000000, s2;
	s6 =	simm.s32 $0x108;
	_ =	swait.ge @!p0 [sflag:s8], $0x0  }
0x24: {  	s3 =	sadd.s32 $0x88, s3;
	s6 =	simm.s32 @!p1 $0x1082;
	[sflag:s4] =	ssyncset.s32 $0xFFFFF086  }
0x25: {  	[simem:s6], [sflag:s4] =	dma.local [hbm:s3], $0xF7A  }
0x26: {  	[smem:$0x3F93] =	sst s1;
	(tag) =	ssettag s2;
	_ =	strace s9  }
0x27: {  	s1 =	sld [smem:$0x3FA3]  }
0x28: {  	s2 =	sld [smem:$0x3FA4]  }
0x29: {  	s4 =	sld [smem:$0x3FA6]  }
0x2a: {  	p0 =	seq.s32 s5, $0x0;
	s5 =	sld [smem:$0x3FA7]  }
0x2b: {  	s6 =	sld [smem:$0x3FA8]  }
0x2c: {  	s7 =	sld [smem:$0x3FA9]  }
0x2d: {  	s3 =	simm.s32 $0x108;
	s8 =	sld [smem:$0x3FAA]  }
0x2e: {  	s3 =	simm.s32 @!p0 $0x1082;
	s9 =	sld [smem:$0x3FAB]  }
0x2f: {  	lr =	sadd.s32 s0, s3;
	s0 =	sld [smem:$0x3FA2]  }
0x30: {  	s3 =	sld [smem:$0x3FA5]  }
0x31: {  	[smem:$0x3FAE] =	sst s10  }
0x32: {  	s10 =	sld [smem:$0x3FAC];
	_ =	sdelay $0x3  }
0x33: {  	p0 =	seq.s32 s10, $0x1;
	s10 =	sld [smem:$0x3FAE];
	_ =	sdelay $0x3  }
0x34: {  	[smem:$0x3FAE] =	sst s10  }
0x35: {  	s10 =	sld [smem:$0x3FAD];
	_ =	sdelay $0x3  }
0x36: {  	p1 =	seq.s32 s10, $0x1;
	s10 =	sld [smem:$0x3FAE];
	_ =	sdelay $0x3  }
0x37: {  	[smem:$0x3FAE] =	sst s10  }
0x38: {  	s10 =	sld [smem:$0x3FAF]  }
0x39: {  	_ = 	snop;
	(pc) =	sbr.ind lr, $3  }
0x3a: {  	_ = 	snop  }
0x3b: {  	_ = 	snop  }
0x3c: {  	p2 =	seq.s32 s10, $0x1;
	s10 =	sld [smem:$0x3FAE]  }
0x3d: {  	_ =	shalt  }
0x3e: {  	_ =	shalt  }
0x3f: {  	_ =	shalt  }
0x40: {  	_ =	shalt  }
0x41: {  	_ =	shalt  }
0x42: {  	_ =	shalt  }
0x43: {  	_ =	shalt  }
0x44: {  	_ =	shalt  }
0x45: {  	_ =	shalt  }
0x46: {  	_ =	shalt  }
0x47: {  	_ =	shalt  }
0x48: {  	_ =	shalt  }
0x49: {  	_ =	shalt  }
0x4a: {  	_ =	shalt  }
0x4b: {  	_ =	shalt  }
0x4c: {  	_ =	shalt  }
0x4d: {  	_ =	shalt  }
0x4e: {  	_ =	shalt  }
0x4f: {  	_ =	shalt  }
0x50: {  	_ =	shalt  }
0x51: {  	_ =	shalt  }
0x52: {  	_ =	shalt  }
0x53: {  	_ =	shalt  }
0x54: {  	_ =	shalt  }
0x55: {  	_ =	shalt  }
0x56: {  	_ =	shalt  }
0x57: {  	_ =	shalt  }
0x58: {  	_ =	shalt  }
0x59: {  	_ =	shalt  }
0x5a: {  	_ =	shalt  }
0x5b: {  	_ =	shalt  }
0x5c: {  	_ =	shalt  }
0x5d: {  	_ =	shalt  }
0x5e: {  	_ =	shalt  }
0x5f: {  	_ =	shalt  }
0x60: {  	_ =	shalt  }
0x61: {  	_ =	shalt  }
0x62: {  	_ =	shalt  }
0x63: {  	_ =	shalt  }
0x64: {  	_ =	shalt  }
0x65: {  	_ =	shalt  }
0x66: {  	_ =	shalt  }
0x67: {  	_ =	shalt  }
0x68: {  	_ =	shalt  }
0x69: {  	_ =	shalt  }
0x6a: {  	_ =	shalt  }
0x6b: {  	_ =	shalt  }
0x6c: {  	_ =	shalt  }
0x6d: {  	_ =	shalt  }
0x6e: {  	_ =	shalt  }
0x6f: {  	_ =	shalt  }
0x70: {  	_ =	shalt  }
0x71: {  	_ =	shalt  }
0x72: {  	_ =	shalt  }
0x73: {  	_ =	shalt  }
0x74: {  	_ =	shalt  }
0x75: {  	_ =	shalt  }
0x76: {  	_ =	shalt  }
0x77: {  	_ =	shalt  }
0x78: {  	_ =	shalt  }
0x79: {  	_ =	shalt  }
0x7a: {  	_ =	shalt  }
0x7b: {  	_ =	shalt  }
0x7c: {  	_ =	shalt  }
0x7d: {  	_ =	shalt  }
0x7e: {  	_ =	shalt  }
0x7f: {  	_ =	shalt  }
0x80: {  	_ =	shalt  }
0x81: {  	_ =	shalt  }
0x82: {  	_ =	shalt  }
0x83: {  	_ =	shalt  }
0x84: {  	_ =	shalt  }
0x85: {  	_ =	shalt  }
0x86: {  	_ =	shalt  }
0x87: {  	_ =	shalt  }
.Lfunc_end0:
.L_simem_size_0:
called_computation.1_lowered:
.L_overlay_start_0:
0x88: {  	s2 =	sld [smem:$0x3FD9]  }
0x89: {  	s3 =	sld [smem:$0x3FFE];
	_ =	sdelay $0x1  }
0x8a: {  	s1 =	srdreg.scid  }
0x8b: {  	s0 =	sand.u32 $0x1, s1  }
0x8c: {  	s16 =	sshll.u32 s0, $0xA;
	s2 =	sadd.s32 s3, s2  }
0x8d: {  	s2 =	sadd.s32 s2, s16  }
0x8e: {  	[smem:$0x3FBA] =	sst s2  }
0x8f: {  	_ = 	snop  }
0x90: {  	(tm) =	ssettm $0x1  }
0x91: {  	s17 =	sld [smem:$0x3FFB];
	_ =	sdelay $0x3  }
0x92: {  	_ =	strace s17  }
0x93: {  	s2 =	sld [smem:$0x3FFC];
	_ =	sdelay $0x3  }
0x94: {  	_ =	strace s2  }
0x95: {  	s2 =	sld [smem:$0x3FFD];
	_ =	sdelay $0x3  }
0x96: {  	_ =	strace s2  }
0x97: {  	_ =	strace $0x8FFFFFFF  }
0x98: {  	s18 =	sld [smem:$0x3FDB];
	_ =	sdelay $0x1  }
0x99: {  	s19 =	simm.s32 $_scs_section_size  }
0x9a: {  	s4 =	simm.s32 $_size__tile_overlayer_lowered;
	s5 =	simm.s32 $_tile_overlayer_lowered  }
0x9b: {  	s22 =	simm.s32 $0x1BFF;
	s21 =	sshll.u32 s5, $0x1;
	s2 =	sadd.s32 s19, s18  }
0x9c: {  	s6 =	simm.s32 $0x0;
	s20 =	sshll.u32 s4, $0x1;
	s4 =	sadd.s32 s21, s2  }
0x9d: {  	[timem:s6], [sflag:s22] =	dma.local [hbm:s4], s20  }
0x9e: {  	_ =	swait.ge [sflag:s22], s20  }
0x9f: {  	s3 =	ssub.s32 $0x0, s20;
	[sflag:s22] =	ssyncset.done $0x0  }
0xa0: {  	[sflag:s22] =	ssyncadd.s32 s3;
	_ =	sdelay $0x1  }
0xa1: {  	s23 =	simm.s32 $0x1B8B  }
0xa2: {  	_ =	swait.ge [sflag:s23], $0x1  }
0xa3: {  	[sflag:s23] =	ssyncset.done $0x0  }
0xa4: {  	s25 =	simm.s32 $0x1B8E;
	s24 =	sld [smem:$0x3FFE];
	[sflag:s23] =	ssyncadd.s32 $0xFFFFFFFF  }
0xa5: {  	s26 =	simm.s32 $execute0_lowered;
	[smem:$0x3FD2] =	sst s25  }
0xa6: {  	s4 =	sshll.u32 s26, $0x1;
	_ =	strace $0x80000046;
	[dreg:$0x1] =	wrdreg $0xFFFFFFFF  }
0xa7: {  	s28 =	simm.s32 $_size_execute0_lowered;
	s2 =	sadd.s32 s2, s4;
	[dreg:$0x0] =	wrdreg $0x0  }
0xa8: {  	s4 =	sshll.u32 s28, $0x1;
	[dreg:$0x2] =	wrdreg s2  }
0xa9: {  	[dreg:$0x3] =	wrdreg s4  }
0xaa: {  	[dreg:$0x4] =	wrdreg $0xC0  }
0xab: {  	_ =	task [dreg:s6], $0x5FFFF  }
0xac: {  	[dreg:$0x1] =	wrdreg $0xFFFFFFFF  }
0xad: {  	[dreg:$0x0] =	wrdreg $0x60  }
0xae: {  	[dreg:$0x2] =	wrdreg s24  }
0xaf: {  	[dreg:$0x3] =	wrdreg $0x41000  }
0xb0: {  	[dreg:$0x4] =	wrdreg $0xA  }
0xb1: {  	_ =	task.clear_ibuf [dreg:s6], $0x5FFFF;
	_ =	strace $0x90000046  }
0xb2: {  	s29 =	simm.s32 $0xA;
	_ =	strace $0x80000048  }
0xb3: {  	_ =	swait.ge [sflag:s29], $0x1  }
0xb4: {  	[sflag:s29] =	ssyncadd.s32 $0xFFFFFFFF  }
0xb5: {  	_ =	strace $0x90000048  }
0xb6: {  	_ =	sfence  }
0xb7: {  	s30 =	sld [smem:$0x0];
	_ =	sdelay $0x2  }
0xb8: {  	s31 =	sshll.u32 s1, $0xD;
	s1 =	sshrl.u32 s1, $0x2  }
0xb9: {  	s3 =	sand.u32 $0x4000, s31;
	s1 =	sadd.s32 s1, s30  }
0xba: {  	s0 =	sor.u32 s3, s0;
	s1 =	sshll.u32 s1, $0x11  }
0xbb: {  	s0 =	sor.u32 s1, s0  }
0xbc: {  	s0 =	sadd.s32 $0x8F2B, s0  }
0xbd: {  	[sflag:s0] =	ssyncadd.remote.s32 $0x1  }
0xbe: {  	_ =	sfence.sel $0xFFFF  }
0xbf: {  	[dreg:$0x0] =	wrdreg $0xFFFFFFFF;
	(pc) =	sbr.abs _section_cstart, $3  }
0xc0: {  	[dreg:$0x1] =	wrdreg $0xFFFFFFFF  }
0xc1: {  	_ =	task.clear_ibuf [dreg:s6], $0x2FFFF;
	_ =	strace $0x9FFFFFFF  }
0xc2: {  	(tm) =	ssettm $0x7FFFFFFF  }
0xc3: {  	_ =	shalt  }
tec
execute0_lowered:
.L_overlay_start_1:
0x0: {  	(tag) =	ssettag $0x1  }
0x1: {  	s5 =	rddreg [dreg:$0x0]  }
0x2: {  	s1 =	rddreg [dreg:$0x1]  }
0x3: {  	s0 =	rddreg [dreg:$0x2];
	s2 =	simm.s32 $0x0;
	s11 =	stileid.u32  }
0x4: {  	s6 =	srdreg.scid;
	s17 =	simm.s32 $0x0;
	s4 =	smul.u32 $0xA00, s11  }
0x5: {  	[smem:$0x7FF] =	sst s2;
	s3 =	sadd.s32 $0x18800, s5;
	s9 =	smul.u32 $0x2700, s11  }
0x6: {  	s6 =	sand.u32 $0x1, s6;
	s12 =	smul.u32 $0x4E000, s11;
	s13 =	sadd.s32 $0x42200, s5  }
0x7: {  	s26 =	sshll.u32 s11, $0x6;
	s16 =	sadd.s32 $0x138000, s1;
	s24 =	smul.u32 $0x27100, s6  }
0x8: {  	p0 =	sne.s32 s11, $0x0;
	_ =	strace $0x80000047;
	s14 =	smul.u32 $0x138800, s6  }
0x9: {  	s8 =	ssub.s32 $0x2, s6;
	s28 =	smul.u32 $0x500, s6;
	s7 =	sadd.s32 s4, s5  }
0xa: {  	s4 =	sadd.s32 $0x3FA00, s5;
	s10 =	sshrl.u32 s8, $0x1;
	s25 =	sshrl.u32 s12, $0x2  }
0xb: {  	s5 =	sor.u32 $0x1C02, s26;
	s12 =	simm.s32 $0x2;
	s8 =	ssub.s32 s8, s10  }
0xc: {  	s15 =	sadd.s32 s25, s1;
	s29 =	sadd.s32 s9, s24;
	s30 =	sshrl.u32 s14, $0x3  }
0xd: {  	s31 =	sadd.s32 s28, s7;
	s14 =	simm.s32 $0x80;
	s6 =	sadd.s32 s13, s29  }
0xe: {  	s9 =	sadd.s32 s13, s30;
	s8 =	smax.u32 s8, $0x1;
	s10 =	sadd.s32 $0xE800, s31  }
0xf: {  	s11 =	sshrl.u32 s15, $0x3;
	s13 =	sshrl.u32 @!p0 s16, $0x3;
	s15 =	simm.s32 $0x100  }
0x10: {  	s16 =	simm.s32 $0x1;
	s7 =	sadd.s32 $0x27000, s9;
	s9 =	sadd.s32 $0x4800, s31  }
.LBB2_1:
0x11: {  	[spmem:s11], [sflag:s5] =	dma.local [hbm:s4], $0x2700  }
0x12: {  	_ =	swait.ge [sflag:s12], $0x2700  }
0x13: {  	[sflag:s12] =	ssyncset.done $0x0  }
0x14: {  	s18 =	simm.s32 @!p0 $0x2;
	[sflag:s12] =	ssyncadd.s32 $0xFFFFD900  }
0x15: {  	[spmem:s13], [sflag:s5] =	dma.local @!p0 [hbm:s4], $0x100  }
0x16: {  	_ =	swait.ge @!p0 [sflag:s18], $0x100  }
0x17: {  	[sflag:s18] =	ssyncset.done @!p0 $0x0  }
0x18: {  	[sflag:s18] =	ssyncadd.s32 @!p0 $0xFFFFFF00  }
0x19: {  	s30 =	sadd.s32 $0x0, s10;
	[bflag:$0x0] =	sbarrier.arrive $0xFFFF  }
0x1a: {  	[tilespmem:s2], [sflag:$0x2] =	stream.linear.gather [hbm4b:s30+s2], $0x80, $0x38;
	[tilespmem:$0x17A00] =	vst v63  }
0x1b: {  	_ =	swait.ge [sflag:s12], $0x80  }
0x1c: {  	[sflag:s12] =	ssyncset.done $0x0  }
0x1d: {  	s31 =	sadd.s32 $0x0, s9;
	[sflag:s12] =	ssyncadd.s32 $0xFFFFFF80  }
0x1e: {  	[tilespmem:s14], [sflag:$0x2] =	stream.linear.gather [hbm4b:s31+s2], $0x80, $0x38;
	[tilespmem:$0x17A00] =	vst v63  }
0x1f: {  	_ =	swait.ge [sflag:s12], $0x80  }
0x20: {  	[sflag:s12] =	ssyncset.done $0x0  }
0x21: {  	[sflag:s12] =	ssyncadd.s32 $0xFFFFFF80  }
0x22: {  	[tilespmem:s15], [sflag:$0x1] =	stream.indirect.gather [hbm4b:s3+s14], $0x80, s2, s14, $0xb8;
	[tilespmem:$0x17A00] =	vst v63  }
0x23: {  	_ =	swait.ge [sflag:s16], $0x4000  }
0x24: {  	[sflag:s16] =	ssyncset.done $0x0  }
0x25: {  	[sflag:s16] =	ssyncadd.s32 $0xFFFFC000  }
0x26: {  	[spmem:s1] =	stream.indirect.scatter.add.f32 [tilespmem:s15], [sflag:$0x2], $0x80, s14, s14, $0xb8;
	[tilespmem:$0x17A00] =	vst v63  }
0x27: {  	_ =	swait.ge [sflag:s12], $0x4000  }
0x28: {  	s19 =	simm.s32 $0x20;
	s18 =	simm.s32 $0x10;
	[sflag:s12] =	ssyncset.done $0x0  }
.LBB2_2:
0x29: {  	s20 =	sadd.s32 s18, s10  }
0x2a: {  	[sflag:s12] =	ssyncadd.s32 $0xFFFFC000;
	s21 =	smov.u32 s19;
	s22 =	sadd.s32 $0x10, s19  }
0x2b: {  	[tilespmem:s2], [sflag:$0x2] =	stream.linear.gather [hbm4b:s20+s2], $0x80, $0x38;
	[tilespmem:$0x17A00] =	vst v63  }
0x2c: {  	p1 =	sne.s32 s19, $0x4F0;
	_ =	swait.ge [sflag:s12], $0x80  }
0x2d: {  	[sflag:s12] =	ssyncset.done $0x0  }
0x2e: {  	s19 =	sadd.s32 s18, s9;
	s18 =	smov.u32 s21;
	[sflag:s12] =	ssyncadd.s32 $0xFFFFFF80  }
0x2f: {  	[tilespmem:s14], [sflag:$0x2] =	stream.linear.gather [hbm4b:s19+s2], $0x80, $0x38;
	[tilespmem:$0x17A00] =	vst v63  }
0x30: {  	_ =	swait.ge [sflag:s12], $0x80  }
0x31: {  	[sflag:s12] =	ssyncset.done $0x0  }
0x32: {  	[sflag:s12] =	ssyncadd.s32 $0xFFFFFF80  }
0x33: {  	[tilespmem:s15], [sflag:$0x1] =	stream.indirect.gather [hbm4b:s3+s14], $0x80, s2, s14, $0xb8;
	[tilespmem:$0x17A00] =	vst v63  }
0x34: {  	_ =	swait.ge [sflag:s16], $0x4000  }
.Ltmp0:
0x35: {  	[sflag:s16] =	ssyncset.done $0x0;
	(pc) =	sbr.rel @p1 .LBB2_2-.Ltmp0, $4  }
0x36: {  	[sflag:s16] =	ssyncadd.s32 $0xFFFFC000  }
0x37: {  	[spmem:s1] =	stream.indirect.scatter.add.f32 [tilespmem:s15], [sflag:$0x2], $0x80, s14, s14, $0xb8;
	[tilespmem:$0x17A00] =	vst v63  }
0x38: {  	_ =	swait.ge [sflag:s12], $0x4000  }
0x39: {  	s19 =	smov.u32 s22;
	[sflag:s12] =	ssyncset.done $0x0  }
0x3a: {  	s19 =	sadd.s32 s18, s10;
	[sflag:s12] =	ssyncadd.s32 $0xFFFFC000  }
0x3b: {  	[tilespmem:s2], [sflag:$0x2] =	stream.linear.gather [hbm4b:s19+s2], $0x80, $0x38;
	[tilespmem:$0x17A00] =	vst v63  }
0x3c: {  	_ =	swait.ge [sflag:s12], $0x80  }
0x3d: {  	[sflag:s12] =	ssyncset.done $0x0  }
0x3e: {  	s31 =	sadd.s32 s18, s9;
	[sflag:s12] =	ssyncadd.s32 $0xFFFFFF80  }
0x3f: {  	[tilespmem:s14], [sflag:$0x2] =	stream.linear.gather [hbm4b:s31+s2], $0x80, $0x38;
	[tilespmem:$0x17A00] =	vst v63  }
0x40: {  	_ =	swait.ge [sflag:s12], $0x80  }
0x41: {  	[sflag:s12] =	ssyncset.done $0x0  }
0x42: {  	[sflag:s12] =	ssyncadd.s32 $0xFFFFFF80  }
0x43: {  	[tilespmem:s15], [sflag:$0x1] =	stream.indirect.gather [hbm4b:s3+s14], $0x80, s2, s14, $0xb8;
	[tilespmem:$0x17A00] =	vst v63  }
0x44: {  	_ =	swait.ge [sflag:s16], $0x4000  }
0x45: {  	[sflag:s16] =	ssyncset.done $0x0  }
0x46: {  	[sflag:s16] =	ssyncadd.s32 $0xFFFFC000  }
0x47: {  	[spmem:s1] =	stream.indirect.scatter.add.f32 [tilespmem:s15], [sflag:$0x2], $0x80, s14, s14, $0xb8;
	[tilespmem:$0x17A00] =	vst v63  }
0x48: {  	_ =	swait.ge [sflag:s12], $0x4000  }
0x49: {  	[sflag:s12] =	ssyncset.done $0x0  }
0x4a: {  	[sflag:s12] =	ssyncadd.s32 $0xFFFFC000  }
0x4b: {  	[bflag:$0x0] =	sbarrier.arrive $0xFFFF  }
0x4c: {  	[hbm:s6], [sflag:s5] =	dma.local [spmem:s11], $0x2700  }
0x4d: {  	s17 =	sadd.s32 $0x1, s17;
	_ =	swait.ge [sflag:s12], $0x2700  }
0x4e: {  	p1 =	sne.s32 s17, s8;
	[sflag:s12] =	ssyncset.done $0x0  }
.Ltmp1:
0x4f: {  	s18 =	simm.s32 @!p0 $0x2;
	[sflag:s12] =	ssyncadd.s32 $0xFFFFD900;
	(pc) =	sbr.rel @p1 .LBB2_1-.Ltmp1, $4  }
0x50: {  	[hbm:s7], [sflag:s5] =	dma.local @!p0 [spmem:s13], $0x100  }
0x51: {  	_ =	swait.ge @!p0 [sflag:s18], $0x100  }
0x52: {  	[sflag:s18] =	ssyncset.done @!p0 $0x0  }
0x53: {  	[sflag:s18] =	ssyncadd.s32 @!p0 $0xFFFFFF00  }
0x54: {  	_ =	sfence.sel $0x180000  }
0x55: {  	[bflag:$0x0] =	sbarrier.arrive $0xFFFF  }
0x56: {  	_ =	strace $0x90000047  }
0x57: {  	s0 =	sadd.s32 @!p0 $0x100000, s0;
	[bflag:$0x2] =	sbarrier.arrive $0xFFFF  }
0x58: {  	[sflag:s0] =	ssyncadd.tile.s32 @!p0 $0x1;
	_ =	shalt  }
.Lfunc_end2:
_tile_overlayer_lowered:
.L_overlay_start_2:
0x59: {  	(tag) =	ssettag $0x2  }
0x5a: {  	s0 =	rddreg [dreg:$0x0];
	s2 =	stileid.u32  }
0x5b: {  	s1 =	rddreg [dreg:$0x1];
	p0 =	sne.s32 s2, $0x0  }
0x5c: {  	s3 =	rddreg [dreg:$0x2];
	[bflag:$0x3] =	sbarrier.arrive $0xFFFF;
	s2 =	simm.s32 @!p0 $0x1C02  }
0x5d: {  	[timem:s3], [sflag:s2] =	dma.local @!p0 [hbm:s0], s1  }
0x5e: {  	s0 =	simm.s32 @!p0 $0x2  }
0x5f: {  	_ =	swait.ge @!p0 [sflag:s0], s1  }
0x60: {  	s1 =	ssub.s32 @!p0 $0x0, s1;
	[sflag:s0] =	ssyncset.done @!p0 $0x0  }
0x61: {  	[sflag:s0] =	ssyncadd.s32 @!p0 s1  }
0x62: {  	[bflag:$0x3] =	sbarrier.arrive $0xFFFF  }
0x63: {  	_ =	shalt  }

// kernel: kernel.17.cloned.1.call-start
scs
__scs_entry_jumppad:
0x0: {  	(pc) =	sbr.rel $0x88, $3  }
0x1: {  	(tag) =	ssettag $0x0;
	lr =	simm.s32 $0x1  }
0x2: {  	[smem:$0x3F93] =	sst lr;
	_ =	strace $0xD0000000  }
0x3: {  	_ = 	snop  }
0x4: {  	_ = 	snop  }
0x5: {  	_ = 	snop  }
0x6: {  	_ = 	snop  }
0x7: {  	_ = 	snop  }
__scs_overlays_trampoline_lowered:
0x8: {  	[smem:$0x3FA2] =	sst s0  }
0x9: {  	[smem:$0x3FA3] =	sst s1  }
0xa: {  	[smem:$0x3FA4] =	sst s2  }
0xb: {  	[smem:$0x3FA5] =	sst s3  }
0xc: {  	[smem:$0x3FA6] =	sst s4  }
0xd: {  	[smem:$0x3FA7] =	sst s5  }
0xe: {  	[smem:$0x3FA8] =	sst s6  }
0xf: {  	[smem:$0x3FA9] =	sst s7  }
0x10: {  	[smem:$0x3FAA] =	sst s8  }
0x11: {  	[smem:$0x3FAB] =	sst s9;
	s0 =	simm.s32 @!p0 $0x0  }
0x12: {  	s1 =	sld [smem:$0x3F91];
	s0 =	simm.s32 @p0 $0x1  }
0x13: {  	[smem:$0x3FAC] =	sst s0;
	s0 =	simm.s32 @!p1 $0x0  }
0x14: {  	s2 =	sld [smem:$0x3F90];
	s0 =	simm.s32 @p1 $0x1  }
0x15: {  	[smem:$0x3FAD] =	sst s0;
	s0 =	simm.s32 @!p2 $0x0  }
0x16: {  	s3 =	sld [smem:$0x3FDB];
	s0 =	simm.s32 @p2 $0x1  }
0x17: {  	s4 =	simm.s32 $0x1BF5;
	[smem:$0x3FAF] =	sst s0  }
0x18: {  	s0 =	sld [smem:$0x3F92];
	_ =	swait.ge [sflag:s4], $0x0  }
0x19: {  	s7 =	sld [smem:$0x3F93]  }
0x1a: {  	s8 =	sadd.s32 $0xFFFFE003, lr  }
0x1b: {  	s9 =	sadd.s32 $0xFFFFFEF7, lr;
	s5 =	simm.s32 $0xFFFFFFFF;
	p2 =	slt.u32 s8, $0xFFFFF086  }
0x1c: {  	p1 =	slt.u32 s9, $0xF7A;
	s5 =	simm.s32 @!p2 $0x0  }
0x1d: {  	s5 =	simm.s32 @p1 $0x1;
	p0 =	seq.s32 s7, s2  }
0x1e: {  	s7 =	smul.u32 @!p0 $0xF7A, s2;
	p2 =	seq.s32 @!p0 s5, $0x0  }
0x1f: {  	s9 =	smul.u32 $0xF7A, s1;
	s8 =	simm.s32 @!p0 $0x1BF5;
	p2 =	por !p2, p0  }
0x20: {  	[sflag:s8] =	ssyncset.s32 @!p0 $0xFFFFF086;
	s6 =	sadd.s32 @!p0 s3, s7;
	s7 =	simm.s32 @!p0 $0x108  }
0x21: {  	s3 =	sadd.s32 s3, s9;
	s6 =	sadd.s32 @!p0 $0x88, s6;
	s7 =	simm.s32 @p2 $0x1082  }
0x22: {  	[simem:s7], [sflag:s8] =	dma.local @!p0 [hbm:s6], $0xF7A  }
0x23: {  	s9 =	sor.u32 $0xD0000000, s2;
	s6 =	simm.s32 $0x108;
	_ =	swait.ge @!p0 [sflag:s8], $0x0  }
0x24: {  	s3 =	sadd.s32 $0x88, s3;
	s6 =	simm.s32 @!p1 $0x1082;
	[sflag:s4] =	ssyncset.s32 $0xFFFFF086  }
0x25: {  	[simem:s6], [sflag:s4] =	dma.local [hbm:s3], $0xF7A  }
0x26: {  	[smem:$0x3F93] =	sst s1;
	(tag) =	ssettag s2;
	_ =	strace s9  }
0x27: {  	s1 =	sld [smem:$0x3FA3]  }
0x28: {  	s2 =	sld [smem:$0x3FA4]  }
0x29: {  	s4 =	sld [smem:$0x3FA6]  }
0x2a: {  	p0 =	seq.s32 s5, $0x0;
	s5 =	sld [smem:$0x3FA7]  }
0x2b: {  	s6 =	sld [smem:$0x3FA8]  }
0x2c: {  	s7 =	sld [smem:$0x3FA9]  }
0x2d: {  	s3 =	simm.s32 $0x108;
	s8 =	sld [smem:$0x3FAA]  }
0x2e: {  	s3 =	simm.s32 @!p0 $0x1082;
	s9 =	sld [smem:$0x3FAB]  }
0x2f: {  	lr =	sadd.s32 s0, s3;
	s0 =	sld [smem:$0x3FA2]  }
0x30: {  	s3 =	sld [smem:$0x3FA5]  }
0x31: {  	[smem:$0x3FAE] =	sst s10  }
0x32: {  	s10 =	sld [smem:$0x3FAC];
	_ =	sdelay $0x3  }
0x33: {  	p0 =	seq.s32 s10, $0x1;
	s10 =	sld [smem:$0x3FAE];
	_ =	sdelay $0x3  }
0x34: {  	[smem:$0x3FAE] =	sst s10  }
0x35: {  	s10 =	sld [smem:$0x3FAD];
	_ =	sdelay $0x3  }
0x36: {  	p1 =	seq.s32 s10, $0x1;
	s10 =	sld [smem:$0x3FAE];
	_ =	sdelay $0x3  }
0x37: {  	[smem:$0x3FAE] =	sst s10  }
0x38: {  	s10 =	sld [smem:$0x3FAF]  }
0x39: {  	_ = 	snop;
	(pc) =	sbr.ind lr, $3  }
0x3a: {  	_ = 	snop  }
0x3b: {  	_ = 	snop  }
0x3c: {  	p2 =	seq.s32 s10, $0x1;
	s10 =	sld [smem:$0x3FAE]  }
0x3d: {  	_ =	shalt  }
0x3e: {  	_ =	shalt  }
0x3f: {  	_ =	shalt  }
0x40: {  	_ =	shalt  }
0x41: {  	_ =	shalt  }
0x42: {  	_ =	shalt  }
0x43: {  	_ =	shalt  }
0x44: {  	_ =	shalt  }
0x45: {  	_ =	shalt  }
0x46: {  	_ =	shalt  }
0x47: {  	_ =	shalt  }
0x48: {  	_ =	shalt  }
0x49: {  	_ =	shalt  }
0x4a: {  	_ =	shalt  }
0x4b: {  	_ =	shalt  }
0x4c: {  	_ =	shalt  }
0x4d: {  	_ =	shalt  }
0x4e: {  	_ =	shalt  }
0x4f: {  	_ =	shalt  }
0x50: {  	_ =	shalt  }
0x51: {  	_ =	shalt  }
0x52: {  	_ =	shalt  }
0x53: {  	_ =	shalt  }
0x54: {  	_ =	shalt  }
0x55: {  	_ =	shalt  }
0x56: {  	_ =	shalt  }
0x57: {  	_ =	shalt  }
0x58: {  	_ =	shalt  }
0x59: {  	_ =	shalt  }
0x5a: {  	_ =	shalt  }
0x5b: {  	_ =	shalt  }
0x5c: {  	_ =	shalt  }
0x5d: {  	_ =	shalt  }
0x5e: {  	_ =	shalt  }
0x5f: {  	_ =	shalt  }
0x60: {  	_ =	shalt  }
0x61: {  	_ =	shalt  }
0x62: {  	_ =	shalt  }
0x63: {  	_ =	shalt  }
0x64: {  	_ =	shalt  }
0x65: {  	_ =	shalt  }
0x66: {  	_ =	shalt  }
0x67: {  	_ =	shalt  }
0x68: {  	_ =	shalt  }
0x69: {  	_ =	shalt  }
0x6a: {  	_ =	shalt  }
0x6b: {  	_ =	shalt  }
0x6c: {  	_ =	shalt  }
0x6d: {  	_ =	shalt  }
0x6e: {  	_ =	shalt  }
0x6f: {  	_ =	shalt  }
0x70: {  	_ =	shalt  }
0x71: {  	_ =	shalt  }
0x72: {  	_ =	shalt  }
0x73: {  	_ =	shalt  }
0x74: {  	_ =	shalt  }
0x75: {  	_ =	shalt  }
0x76: {  	_ =	shalt  }
0x77: {  	_ =	shalt  }
0x78: {  	_ =	shalt  }
0x79: {  	_ =	shalt  }
0x7a: {  	_ =	shalt  }
0x7b: {  	_ =	shalt  }
0x7c: {  	_ =	shalt  }
0x7d: {  	_ =	shalt  }
0x7e: {  	_ =	shalt  }
0x7f: {  	_ =	shalt  }
0x80: {  	_ =	shalt  }
0x81: {  	_ =	shalt  }
0x82: {  	_ =	shalt  }
0x83: {  	_ =	shalt  }
0x84: {  	_ =	shalt  }
0x85: {  	_ =	shalt  }
0x86: {  	_ =	shalt  }
0x87: {  	_ =	shalt  }
.Lfunc_end0:
.L_simem_size_0:
called_computation.2_lowered:
.L_overlay_start_0:
0x88: {  	s2 =	sld [smem:$0x3FD9]  }
0x89: {  	s3 =	sld [smem:$0x3FFE];
	_ =	sdelay $0x1  }
0x8a: {  	s1 =	srdreg.scid  }
0x8b: {  	s0 =	sand.u32 $0x1, s1  }
0x8c: {  	s16 =	sshll.u32 s0, $0xA;
	s2 =	sadd.s32 s3, s2  }
0x8d: {  	s2 =	sadd.s32 s2, s16  }
0x8e: {  	[smem:$0x3FBA] =	sst s2  }
0x8f: {  	_ = 	snop  }
0x90: {  	(tm) =	ssettm $0x1  }
0x91: {  	s17 =	sld [smem:$0x3FFB];
	_ =	sdelay $0x3  }
0x92: {  	_ =	strace s17  }
0x93: {  	s2 =	sld [smem:$0x3FFC];
	_ =	sdelay $0x3  }
0x94: {  	_ =	strace s2  }
0x95: {  	s2 =	sld [smem:$0x3FFD];
	_ =	sdelay $0x3  }
0x96: {  	_ =	strace s2  }
0x97: {  	_ =	strace $0x8FFFFFFF  }
0x98: {  	s18 =	sld [smem:$0x3FDB];
	_ =	sdelay $0x1  }
0x99: {  	s19 =	simm.s32 $_scs_section_size  }
0x9a: {  	s4 =	simm.s32 $_size__tile_overlayer_lowered;
	s5 =	simm.s32 $_tile_overlayer_lowered  }
0x9b: {  	s22 =	simm.s32 $0x1BFF;
	s21 =	sshll.u32 s5, $0x1;
	s2 =	sadd.s32 s19, s18  }
0x9c: {  	s6 =	simm.s32 $0x0;
	s20 =	sshll.u32 s4, $0x1;
	s4 =	sadd.s32 s21, s2  }
0x9d: {  	[timem:s6], [sflag:s22] =	dma.local [hbm:s4], s20  }
0x9e: {  	_ =	swait.ge [sflag:s22], s20  }
0x9f: {  	s3 =	ssub.s32 $0x0, s20;
	[sflag:s22] =	ssyncset.done $0x0  }
0xa0: {  	[sflag:s22] =	ssyncadd.s32 s3;
	_ =	sdelay $0x1  }
0xa1: {  	s23 =	simm.s32 $0x1B8B  }
0xa2: {  	_ =	swait.ge [sflag:s23], $0x1  }
0xa3: {  	[sflag:s23] =	ssyncset.done $0x0  }
0xa4: {  	s25 =	simm.s32 $0x1B8E;
	s24 =	sld [smem:$0x3FFE];
	[sflag:s23] =	ssyncadd.s32 $0xFFFFFFFF  }
0xa5: {  	s26 =	simm.s32 $execute0_lowered;
	[smem:$0x3FD2] =	sst s25  }
0xa6: {  	s4 =	sshll.u32 s26, $0x1;
	_ =	strace $0x8000004C;
	[dreg:$0x1] =	wrdreg $0xFFFFFFFF  }
0xa7: {  	s28 =	simm.s32 $_size_execute0_lowered;
	s2 =	sadd.s32 s2, s4;
	[dreg:$0x0] =	wrdreg $0x0  }
0xa8: {  	s4 =	sshll.u32 s28, $0x1;
	[dreg:$0x2] =	wrdreg s2  }
0xa9: {  	[dreg:$0x3] =	wrdreg s4  }
0xaa: {  	[dreg:$0x4] =	wrdreg $0xC0  }
0xab: {  	_ =	task [dreg:s6], $0x5FFFF  }
0xac: {  	[dreg:$0x1] =	wrdreg $0xFFFFFFFF  }
0xad: {  	[dreg:$0x0] =	wrdreg $0x60  }
0xae: {  	[dreg:$0x2] =	wrdreg s24  }
0xaf: {  	[dreg:$0x3] =	wrdreg $0x41000  }
0xb0: {  	[dreg:$0x4] =	wrdreg $0x9  }
0xb1: {  	_ =	task.clear_ibuf [dreg:s6], $0x5FFFF;
	_ =	strace $0x9000004C  }
0xb2: {  	s29 =	simm.s32 $0x9;
	_ =	strace $0x8000004E  }
0xb3: {  	_ =	swait.ge [sflag:s29], $0x1  }
0xb4: {  	[sflag:s29] =	ssyncadd.s32 $0xFFFFFFFF  }
0xb5: {  	_ =	strace $0x9000004E  }
0xb6: {  	_ =	sfence  }
0xb7: {  	s30 =	sld [smem:$0x0];
	_ =	sdelay $0x2  }
0xb8: {  	s31 =	sshll.u32 s1, $0xD;
	s1 =	sshrl.u32 s1, $0x2  }
0xb9: {  	s3 =	sand.u32 $0x4000, s31;
	s1 =	sadd.s32 s1, s30  }
0xba: {  	s0 =	sor.u32 s3, s0;
	s1 =	sshll.u32 s1, $0x11  }
0xbb: {  	s0 =	sor.u32 s1, s0  }
0xbc: {  	s0 =	sadd.s32 $0x8F2B, s0  }
0xbd: {  	[sflag:s0] =	ssyncadd.remote.s32 $0x1  }
0xbe: {  	_ =	sfence.sel $0xFFFF  }
0xbf: {  	[dreg:$0x0] =	wrdreg $0xFFFFFFFF;
	(pc) =	sbr.abs _section_cstart, $3  }
0xc0: {  	[dreg:$0x1] =	wrdreg $0xFFFFFFFF  }
0xc1: {  	_ =	task.clear_ibuf [dreg:s6], $0x2FFFF;
	_ =	strace $0x9FFFFFFF  }
0xc2: {  	(tm) =	ssettm $0x7FFFFFFF  }
0xc3: {  	_ =	shalt  }
tec
execute0_lowered:
.L_overlay_start_1:
0x0: {  	(tag) =	ssettag $0x1  }
0x1: {  	s5 =	rddreg [dreg:$0x0]  }
0x2: {  	s1 =	rddreg [dreg:$0x1]  }
0x3: {  	s0 =	rddreg [dreg:$0x2];
	s2 =	simm.s32 $0x0;
	s11 =	stileid.u32  }
0x4: {  	s6 =	srdreg.scid;
	s17 =	simm.s32 $0x0;
	s4 =	smul.u32 $0xA00, s11  }
0x5: {  	[smem:$0x7FF] =	sst s2;
	s3 =	sadd.s32 $0x18800, s5;
	s9 =	smul.u32 $0x2700, s11  }
0x6: {  	s6 =	sand.u32 $0x1, s6;
	s12 =	smul.u32 $0x4E000, s11;
	s13 =	sadd.s32 $0x42200, s5  }
0x7: {  	s26 =	sshll.u32 s11, $0x6;
	s16 =	sadd.s32 $0x138000, s1;
	s24 =	smul.u32 $0x27100, s6  }
0x8: {  	p0 =	sne.s32 s11, $0x0;
	_ =	strace $0x8000004D;
	s14 =	smul.u32 $0x138800, s6  }
0x9: {  	s8 =	ssub.s32 $0x2, s6;
	s28 =	smul.u32 $0x500, s6;
	s7 =	sadd.s32 s4, s5  }
0xa: {  	s4 =	sadd.s32 $0x3FA00, s5;
	s10 =	sshrl.u32 s8, $0x1;
	s25 =	sshrl.u32 s12, $0x2  }
0xb: {  	s5 =	sor.u32 $0x1C02, s26;
	s12 =	simm.s32 $0x2;
	s8 =	ssub.s32 s8, s10  }
0xc: {  	s15 =	sadd.s32 s25, s1;
	s29 =	sadd.s32 s9, s24;
	s30 =	sshrl.u32 s14, $0x3  }
0xd: {  	s31 =	sadd.s32 s28, s7;
	s14 =	simm.s32 $0x80;
	s6 =	sadd.s32 s13, s29  }
0xe: {  	s9 =	sadd.s32 s13, s30;
	s8 =	smax.u32 s8, $0x1;
	s10 =	sadd.s32 $0xE800, s31  }
0xf: {  	s11 =	sshrl.u32 s15, $0x3;
	s13 =	sshrl.u32 @!p0 s16, $0x3;
	s15 =	simm.s32 $0x100  }
0x10: {  	s16 =	simm.s32 $0x1;
	s7 =	sadd.s32 $0x27000, s9;
	s9 =	sadd.s32 $0x4800, s31  }
.LBB2_1:
0x11: {  	[spmem:s11], [sflag:s5] =	dma.local [hbm:s4], $0x2700  }
0x12: {  	_ =	swait.ge [sflag:s12], $0x2700  }
0x13: {  	[sflag:s12] =	ssyncset.done $0x0  }
0x14: {  	s18 =	simm.s32 @!p0 $0x2;
	[sflag:s12] =	ssyncadd.s32 $0xFFFFD900  }
0x15: {  	[spmem:s13], [sflag:s5] =	dma.local @!p0 [hbm:s4], $0x100  }
0x16: {  	_ =	swait.ge @!p0 [sflag:s18], $0x100  }
0x17: {  	[sflag:s18] =	ssyncset.done @!p0 $0x0  }
0x18: {  	[sflag:s18] =	ssyncadd.s32 @!p0 $0xFFFFFF00  }
0x19: {  	s30 =	sadd.s32 $0x0, s10;
	[bflag:$0x0] =	sbarrier.arrive $0xFFFF  }
0x1a: {  	[tilespmem:s2], [sflag:$0x2] =	stream.linear.gather [hbm4b:s30+s2], $0x80, $0x38;
	[tilespmem:$0x17A00] =	vst v63  }
0x1b: {  	_ =	swait.ge [sflag:s12], $0x80  }
0x1c: {  	[sflag:s12] =	ssyncset.done $0x0  }
0x1d: {  	s31 =	sadd.s32 $0x0, s9;
	[sflag:s12] =	ssyncadd.s32 $0xFFFFFF80  }
0x1e: {  	[tilespmem:s14], [sflag:$0x2] =	stream.linear.gather [hbm4b:s31+s2], $0x80, $0x38;
	[tilespmem:$0x17A00] =	vst v63  }
0x1f: {  	_ =	swait.ge [sflag:s12], $0x80  }
0x20: {  	[sflag:s12] =	ssyncset.done $0x0  }
0x21: {  	[sflag:s12] =	ssyncadd.s32 $0xFFFFFF80  }
0x22: {  	[tilespmem:s15], [sflag:$0x1] =	stream.indirect.gather [hbm4b:s3+s14], $0x80, s2, s14, $0xb8;
	[tilespmem:$0x17A00] =	vst v63  }
0x23: {  	_ =	swait.ge [sflag:s16], $0x4000  }
0x24: {  	[sflag:s16] =	ssyncset.done $0x0  }
0x25: {  	[sflag:s16] =	ssyncadd.s32 $0xFFFFC000  }
0x26: {  	[spmem:s1] =	stream.indirect.scatter.add.f32 [tilespmem:s15], [sflag:$0x2], $0x80, s14, s14, $0xb8;
	[tilespmem:$0x17A00] =	vst v63  }
0x27: {  	_ =	swait.ge [sflag:s12], $0x4000  }
0x28: {  	s19 =	simm.s32 $0x20;
	s18 =	simm.s32 $0x10;
	[sflag:s12] =	ssyncset.done $0x0  }
.LBB2_2:
0x29: {  	s20 =	sadd.s32 s18, s10  }
0x2a: {  	[sflag:s12] =	ssyncadd.s32 $0xFFFFC000;
	s21 =	smov.u32 s19;
	s22 =	sadd.s32 $0x10, s19  }
0x2b: {  	[tilespmem:s2], [sflag:$0x2] =	stream.linear.gather [hbm4b:s20+s2], $0x80, $0x38;
	[tilespmem:$0x17A00] =	vst v63  }
0x2c: {  	p1 =	sne.s32 s19, $0x4F0;
	_ =	swait.ge [sflag:s12], $0x80  }
0x2d: {  	[sflag:s12] =	ssyncset.done $0x0  }
0x2e: {  	s19 =	sadd.s32 s18, s9;
	s18 =	smov.u32 s21;
	[sflag:s12] =	ssyncadd.s32 $0xFFFFFF80  }
0x2f: {  	[tilespmem:s14], [sflag:$0x2] =	stream.linear.gather [hbm4b:s19+s2], $0x80, $0x38;
	[tilespmem:$0x17A00] =	vst v63  }
0x30: {  	_ =	swait.ge [sflag:s12], $0x80  }
0x31: {  	[sflag:s12] =	ssyncset.done $0x0  }
0x32: {  	[sflag:s12] =	ssyncadd.s32 $0xFFFFFF80  }
0x33: {  	[tilespmem:s15], [sflag:$0x1] =	stream.indirect.gather [hbm4b:s3+s14], $0x80, s2, s14, $0xb8;
	[tilespmem:$0x17A00] =	vst v63  }
0x34: {  	_ =	swait.ge [sflag:s16], $0x4000  }
.Ltmp0:
0x35: {  	[sflag:s16] =	ssyncset.done $0x0;
	(pc) =	sbr.rel @p1 .LBB2_2-.Ltmp0, $4  }
0x36: {  	[sflag:s16] =	ssyncadd.s32 $0xFFFFC000  }
0x37: {  	[spmem:s1] =	stream.indirect.scatter.add.f32 [tilespmem:s15], [sflag:$0x2], $0x80, s14, s14, $0xb8;
	[tilespmem:$0x17A00] =	vst v63  }
0x38: {  	_ =	swait.ge [sflag:s12], $0x4000  }
0x39: {  	s19 =	smov.u32 s22;
	[sflag:s12] =	ssyncset.done $0x0  }
0x3a: {  	s19 =	sadd.s32 s18, s10;
	[sflag:s12] =	ssyncadd.s32 $0xFFFFC000  }
0x3b: {  	[tilespmem:s2], [sflag:$0x2] =	stream.linear.gather [hbm4b:s19+s2], $0x80, $0x38;
	[tilespmem:$0x17A00] =	vst v63  }
0x3c: {  	_ =	swait.ge [sflag:s12], $0x80  }
0x3d: {  	[sflag:s12] =	ssyncset.done $0x0  }
0x3e: {  	s31 =	sadd.s32 s18, s9;
	[sflag:s12] =	ssyncadd.s32 $0xFFFFFF80  }
0x3f: {  	[tilespmem:s14], [sflag:$0x2] =	stream.linear.gather [hbm4b:s31+s2], $0x80, $0x38;
	[tilespmem:$0x17A00] =	vst v63  }
0x40: {  	_ =	swait.ge [sflag:s12], $0x80  }
0x41: {  	[sflag:s12] =	ssyncset.done $0x0  }
0x42: {  	[sflag:s12] =	ssyncadd.s32 $0xFFFFFF80  }
0x43: {  	[tilespmem:s15], [sflag:$0x1] =	stream.indirect.gather [hbm4b:s3+s14], $0x80, s2, s14, $0xb8;
	[tilespmem:$0x17A00] =	vst v63  }
0x44: {  	_ =	swait.ge [sflag:s16], $0x4000  }
0x45: {  	[sflag:s16] =	ssyncset.done $0x0  }
0x46: {  	[sflag:s16] =	ssyncadd.s32 $0xFFFFC000  }
0x47: {  	[spmem:s1] =	stream.indirect.scatter.add.f32 [tilespmem:s15], [sflag:$0x2], $0x80, s14, s14, $0xb8;
	[tilespmem:$0x17A00] =	vst v63  }
0x48: {  	_ =	swait.ge [sflag:s12], $0x4000  }
0x49: {  	[sflag:s12] =	ssyncset.done $0x0  }
0x4a: {  	[sflag:s12] =	ssyncadd.s32 $0xFFFFC000  }
0x4b: {  	[bflag:$0x0] =	sbarrier.arrive $0xFFFF  }
0x4c: {  	[hbm:s6], [sflag:s5] =	dma.local [spmem:s11], $0x2700  }
0x4d: {  	s17 =	sadd.s32 $0x1, s17;
	_ =	swait.ge [sflag:s12], $0x2700  }
0x4e: {  	p1 =	sne.s32 s17, s8;
	[sflag:s12] =	ssyncset.done $0x0  }
.Ltmp1:
0x4f: {  	s18 =	simm.s32 @!p0 $0x2;
	[sflag:s12] =	ssyncadd.s32 $0xFFFFD900;
	(pc) =	sbr.rel @p1 .LBB2_1-.Ltmp1, $4  }
0x50: {  	[hbm:s7], [sflag:s5] =	dma.local @!p0 [spmem:s13], $0x100  }
0x51: {  	_ =	swait.ge @!p0 [sflag:s18], $0x100  }
0x52: {  	[sflag:s18] =	ssyncset.done @!p0 $0x0  }
0x53: {  	[sflag:s18] =	ssyncadd.s32 @!p0 $0xFFFFFF00  }
0x54: {  	_ =	sfence.sel $0x180000  }
0x55: {  	[bflag:$0x0] =	sbarrier.arrive $0xFFFF  }
0x56: {  	_ =	strace $0x9000004D  }
0x57: {  	s0 =	sadd.s32 @!p0 $0x100000, s0;
	[bflag:$0x2] =	sbarrier.arrive $0xFFFF  }
0x58: {  	[sflag:s0] =	ssyncadd.tile.s32 @!p0 $0x1;
	_ =	shalt  }
.Lfunc_end2:
_tile_overlayer_lowered:
.L_overlay_start_2:
0x59: {  	(tag) =	ssettag $0x2  }
0x5a: {  	s0 =	rddreg [dreg:$0x0];
	s2 =	stileid.u32  }
0x5b: {  	s1 =	rddreg [dreg:$0x1];
	p0 =	sne.s32 s2, $0x0  }
0x5c: {  	s3 =	rddreg [dreg:$0x2];
	[bflag:$0x3] =	sbarrier.arrive $0xFFFF;
	s2 =	simm.s32 @!p0 $0x1C02  }
0x5d: {  	[timem:s3], [sflag:s2] =	dma.local @!p0 [hbm:s0], s1  }
0x5e: {  	s0 =	simm.s32 @!p0 $0x2  }
0x5f: {  	_ =	swait.ge @!p0 [sflag:s0], s1  }
0x60: {  	s1 =	ssub.s32 @!p0 $0x0, s1;
	[sflag:s0] =	ssyncset.done @!p0 $0x0  }
0x61: {  	[sflag:s0] =	ssyncadd.s32 @!p0 s1  }
0x62: {  	[bflag:$0x3] =	sbarrier.arrive $0xFFFF  }
0x63: {  	_ =	shalt  }

// kernel: kernel.20.cloned.1.call-start
scs
__scs_entry_jumppad:
0x0: {  	(pc) =	sbr.rel $0x88, $3  }
0x1: {  	(tag) =	ssettag $0x0;
	lr =	simm.s32 $0x1  }
0x2: {  	[smem:$0x3F93] =	sst lr;
	_ =	strace $0xD0000000  }
0x3: {  	_ = 	snop  }
0x4: {  	_ = 	snop  }
0x5: {  	_ = 	snop  }
0x6: {  	_ = 	snop  }
0x7: {  	_ = 	snop  }
__scs_overlays_trampoline_lowered:
0x8: {  	[smem:$0x3FA2] =	sst s0  }
0x9: {  	[smem:$0x3FA3] =	sst s1  }
0xa: {  	[smem:$0x3FA4] =	sst s2  }
0xb: {  	[smem:$0x3FA5] =	sst s3  }
0xc: {  	[smem:$0x3FA6] =	sst s4  }
0xd: {  	[smem:$0x3FA7] =	sst s5  }
0xe: {  	[smem:$0x3FA8] =	sst s6  }
0xf: {  	[smem:$0x3FA9] =	sst s7  }
0x10: {  	[smem:$0x3FAA] =	sst s8  }
0x11: {  	[smem:$0x3FAB] =	sst s9;
	s0 =	simm.s32 @!p0 $0x0  }
0x12: {  	s1 =	sld [smem:$0x3F91];
	s0 =	simm.s32 @p0 $0x1  }
0x13: {  	[smem:$0x3FAC] =	sst s0;
	s0 =	simm.s32 @!p1 $0x0  }
0x14: {  	s2 =	sld [smem:$0x3F90];
	s0 =	simm.s32 @p1 $0x1  }
0x15: {  	[smem:$0x3FAD] =	sst s0;
	s0 =	simm.s32 @!p2 $0x0  }
0x16: {  	s3 =	sld [smem:$0x3FDB];
	s0 =	simm.s32 @p2 $0x1  }
0x17: {  	s4 =	simm.s32 $0x1BF5;
	[smem:$0x3FAF] =	sst s0  }
0x18: {  	s0 =	sld [smem:$0x3F92];
	_ =	swait.ge [sflag:s4], $0x0  }
0x19: {  	s7 =	sld [smem:$0x3F93]  }
0x1a: {  	s8 =	sadd.s32 $0xFFFFE003, lr  }
0x1b: {  	s9 =	sadd.s32 $0xFFFFFEF7, lr;
	s5 =	simm.s32 $0xFFFFFFFF;
	p2 =	slt.u32 s8, $0xFFFFF086  }
0x1c: {  	p1 =	slt.u32 s9, $0xF7A;
	s5 =	simm.s32 @!p2 $0x0  }
0x1d: {  	s5 =	simm.s32 @p1 $0x1;
	p0 =	seq.s32 s7, s2  }
0x1e: {  	s7 =	smul.u32 @!p0 $0xF7A, s2;
	p2 =	seq.s32 @!p0 s5, $0x0  }
0x1f: {  	s9 =	smul.u32 $0xF7A, s1;
	s8 =	simm.s32 @!p0 $0x1BF5;
	p2 =	por !p2, p0  }
0x20: {  	[sflag:s8] =	ssyncset.s32 @!p0 $0xFFFFF086;
	s6 =	sadd.s32 @!p0 s3, s7;
	s7 =	simm.s32 @!p0 $0x108  }
0x21: {  	s3 =	sadd.s32 s3, s9;
	s6 =	sadd.s32 @!p0 $0x88, s6;
	s7 =	simm.s32 @p2 $0x1082  }
0x22: {  	[simem:s7], [sflag:s8] =	dma.local @!p0 [hbm:s6], $0xF7A  }
0x23: {  	s9 =	sor.u32 $0xD0000000, s2;
	s6 =	simm.s32 $0x108;
	_ =	swait.ge @!p0 [sflag:s8], $0x0  }
0x24: {  	s3 =	sadd.s32 $0x88, s3;
	s6 =	simm.s32 @!p1 $0x1082;
	[sflag:s4] =	ssyncset.s32 $0xFFFFF086  }
0x25: {  	[simem:s6], [sflag:s4] =	dma.local [hbm:s3], $0xF7A  }
0x26: {  	[smem:$0x3F93] =	sst s1;
	(tag) =	ssettag s2;
	_ =	strace s9  }
0x27: {  	s1 =	sld [smem:$0x3FA3]  }
0x28: {  	s2 =	sld [smem:$0x3FA4]  }
0x29: {  	s4 =	sld [smem:$0x3FA6]  }
0x2a: {  	p0 =	seq.s32 s5, $0x0;
	s5 =	sld [smem:$0x3FA7]  }
0x2b: {  	s6 =	sld [smem:$0x3FA8]  }
0x2c: {  	s7 =	sld [smem:$0x3FA9]  }
0x2d: {  	s3 =	simm.s32 $0x108;
	s8 =	sld [smem:$0x3FAA]  }
0x2e: {  	s3 =	simm.s32 @!p0 $0x1082;
	s9 =	sld [smem:$0x3FAB]  }
0x2f: {  	lr =	sadd.s32 s0, s3;
	s0 =	sld [smem:$0x3FA2]  }
0x30: {  	s3 =	sld [smem:$0x3FA5]  }
0x31: {  	[smem:$0x3FAE] =	sst s10  }
0x32: {  	s10 =	sld [smem:$0x3FAC];
	_ =	sdelay $0x3  }
0x33: {  	p0 =	seq.s32 s10, $0x1;
	s10 =	sld [smem:$0x3FAE];
	_ =	sdelay $0x3  }
0x34: {  	[smem:$0x3FAE] =	sst s10  }
0x35: {  	s10 =	sld [smem:$0x3FAD];
	_ =	sdelay $0x3  }
0x36: {  	p1 =	seq.s32 s10, $0x1;
	s10 =	sld [smem:$0x3FAE];
	_ =	sdelay $0x3  }
0x37: {  	[smem:$0x3FAE] =	sst s10  }
0x38: {  	s10 =	sld [smem:$0x3FAF]  }
0x39: {  	_ = 	snop;
	(pc) =	sbr.ind lr, $3  }
0x3a: {  	_ = 	snop  }
0x3b: {  	_ = 	snop  }
0x3c: {  	p2 =	seq.s32 s10, $0x1;
	s10 =	sld [smem:$0x3FAE]  }
0x3d: {  	_ =	shalt  }
0x3e: {  	_ =	shalt  }
0x3f: {  	_ =	shalt  }
0x40: {  	_ =	shalt  }
0x41: {  	_ =	shalt  }
0x42: {  	_ =	shalt  }
0x43: {  	_ =	shalt  }
0x44: {  	_ =	shalt  }
0x45: {  	_ =	shalt  }
0x46: {  	_ =	shalt  }
0x47: {  	_ =	shalt  }
0x48: {  	_ =	shalt  }
0x49: {  	_ =	shalt  }
0x4a: {  	_ =	shalt  }
0x4b: {  	_ =	shalt  }
0x4c: {  	_ =	shalt  }
0x4d: {  	_ =	shalt  }
0x4e: {  	_ =	shalt  }
0x4f: {  	_ =	shalt  }
0x50: {  	_ =	shalt  }
0x51: {  	_ =	shalt  }
0x52: {  	_ =	shalt  }
0x53: {  	_ =	shalt  }
0x54: {  	_ =	shalt  }
0x55: {  	_ =	shalt  }
0x56: {  	_ =	shalt  }
0x57: {  	_ =	shalt  }
0x58: {  	_ =	shalt  }
0x59: {  	_ =	shalt  }
0x5a: {  	_ =	shalt  }
0x5b: {  	_ =	shalt  }
0x5c: {  	_ =	shalt  }
0x5d: {  	_ =	shalt  }
0x5e: {  	_ =	shalt  }
0x5f: {  	_ =	shalt  }
0x60: {  	_ =	shalt  }
0x61: {  	_ =	shalt  }
0x62: {  	_ =	shalt  }
0x63: {  	_ =	shalt  }
0x64: {  	_ =	shalt  }
0x65: {  	_ =	shalt  }
0x66: {  	_ =	shalt  }
0x67: {  	_ =	shalt  }
0x68: {  	_ =	shalt  }
0x69: {  	_ =	shalt  }
0x6a: {  	_ =	shalt  }
0x6b: {  	_ =	shalt  }
0x6c: {  	_ =	shalt  }
0x6d: {  	_ =	shalt  }
0x6e: {  	_ =	shalt  }
0x6f: {  	_ =	shalt  }
0x70: {  	_ =	shalt  }
0x71: {  	_ =	shalt  }
0x72: {  	_ =	shalt  }
0x73: {  	_ =	shalt  }
0x74: {  	_ =	shalt  }
0x75: {  	_ =	shalt  }
0x76: {  	_ =	shalt  }
0x77: {  	_ =	shalt  }
0x78: {  	_ =	shalt  }
0x79: {  	_ =	shalt  }
0x7a: {  	_ =	shalt  }
0x7b: {  	_ =	shalt  }
0x7c: {  	_ =	shalt  }
0x7d: {  	_ =	shalt  }
0x7e: {  	_ =	shalt  }
0x7f: {  	_ =	shalt  }
0x80: {  	_ =	shalt  }
0x81: {  	_ =	shalt  }
0x82: {  	_ =	shalt  }
0x83: {  	_ =	shalt  }
0x84: {  	_ =	shalt  }
0x85: {  	_ =	shalt  }
0x86: {  	_ =	shalt  }
0x87: {  	_ =	shalt  }
.Lfunc_end0:
.L_simem_size_0:
called_computation.3_lowered:
.L_overlay_start_0:
0x88: {  	s2 =	sld [smem:$0x3FD9]  }
0x89: {  	s3 =	sld [smem:$0x3FFE];
	_ =	sdelay $0x1  }
0x8a: {  	s1 =	srdreg.scid  }
0x8b: {  	s0 =	sand.u32 $0x1, s1  }
0x8c: {  	s16 =	sshll.u32 s0, $0xA;
	s2 =	sadd.s32 s3, s2  }
0x8d: {  	s2 =	sadd.s32 s2, s16  }
0x8e: {  	[smem:$0x3FBA] =	sst s2  }
0x8f: {  	_ = 	snop  }
0x90: {  	(tm) =	ssettm $0x1  }
0x91: {  	s17 =	sld [smem:$0x3FFB];
	_ =	sdelay $0x3  }
0x92: {  	_ =	strace s17  }
0x93: {  	s2 =	sld [smem:$0x3FFC];
	_ =	sdelay $0x3  }
0x94: {  	_ =	strace s2  }
0x95: {  	s2 =	sld [smem:$0x3FFD];
	_ =	sdelay $0x3  }
0x96: {  	_ =	strace s2  }
0x97: {  	_ =	strace $0x8FFFFFFF  }
0x98: {  	s18 =	sld [smem:$0x3FDB];
	_ =	sdelay $0x1  }
0x99: {  	s19 =	simm.s32 $_scs_section_size  }
0x9a: {  	s4 =	simm.s32 $_size__tile_overlayer_lowered;
	s5 =	simm.s32 $_tile_overlayer_lowered  }
0x9b: {  	s22 =	simm.s32 $0x1BFF;
	s21 =	sshll.u32 s5, $0x1;
	s2 =	sadd.s32 s19, s18  }
0x9c: {  	s6 =	simm.s32 $0x0;
	s20 =	sshll.u32 s4, $0x1;
	s4 =	sadd.s32 s21, s2  }
0x9d: {  	[timem:s6], [sflag:s22] =	dma.local [hbm:s4], s20  }
0x9e: {  	_ =	swait.ge [sflag:s22], s20  }
0x9f: {  	s3 =	ssub.s32 $0x0, s20;
	[sflag:s22] =	ssyncset.done $0x0  }
0xa0: {  	[sflag:s22] =	ssyncadd.s32 s3;
	_ =	sdelay $0x1  }
0xa1: {  	s23 =	simm.s32 $0x1B8B  }
0xa2: {  	_ =	swait.ge [sflag:s23], $0x1  }
0xa3: {  	[sflag:s23] =	ssyncset.done $0x0  }
0xa4: {  	s25 =	simm.s32 $0x1B8E;
	s24 =	sld [smem:$0x3FFE];
	[sflag:s23] =	ssyncadd.s32 $0xFFFFFFFF  }
0xa5: {  	s26 =	simm.s32 $execute0_lowered;
	[smem:$0x3FD2] =	sst s25  }
0xa6: {  	s4 =	sshll.u32 s26, $0x1;
	_ =	strace $0x8000004F;
	[dreg:$0x1] =	wrdreg $0xFFFFFFFF  }
0xa7: {  	s28 =	simm.s32 $_size_execute0_lowered;
	s2 =	sadd.s32 s2, s4;
	[dreg:$0x0] =	wrdreg $0x0  }
0xa8: {  	s4 =	sshll.u32 s28, $0x1;
	[dreg:$0x2] =	wrdreg s2  }
0xa9: {  	[dreg:$0x3] =	wrdreg s4  }
0xaa: {  	[dreg:$0x4] =	wrdreg $0xC0  }
0xab: {  	_ =	task [dreg:s6], $0x5FFFF  }
0xac: {  	[dreg:$0x1] =	wrdreg $0xFFFFFFFF  }
0xad: {  	[dreg:$0x0] =	wrdreg $0x60  }
0xae: {  	[dreg:$0x2] =	wrdreg s24  }
0xaf: {  	[dreg:$0x3] =	wrdreg $0x41000  }
0xb0: {  	[dreg:$0x4] =	wrdreg $0x9  }
0xb1: {  	_ =	task.clear_ibuf [dreg:s6], $0x5FFFF;
	_ =	strace $0x9000004F  }
0xb2: {  	s29 =	simm.s32 $0x9;
	_ =	strace $0x80000051  }
0xb3: {  	_ =	swait.ge [sflag:s29], $0x1  }
0xb4: {  	[sflag:s29] =	ssyncadd.s32 $0xFFFFFFFF  }
0xb5: {  	_ =	strace $0x90000051  }
0xb6: {  	_ =	sfence  }
0xb7: {  	s30 =	sld [smem:$0x0];
	_ =	sdelay $0x2  }
0xb8: {  	s31 =	sshll.u32 s1, $0xD;
	s1 =	sshrl.u32 s1, $0x2  }
0xb9: {  	s3 =	sand.u32 $0x4000, s31;
	s1 =	sadd.s32 s1, s30  }
0xba: {  	s0 =	sor.u32 s3, s0;
	s1 =	sshll.u32 s1, $0x11  }
0xbb: {  	s0 =	sor.u32 s1, s0  }
0xbc: {  	s0 =	sadd.s32 $0x8F2B, s0  }
0xbd: {  	[sflag:s0] =	ssyncadd.remote.s32 $0x1  }
0xbe: {  	_ =	sfence.sel $0xFFFF  }
0xbf: {  	[dreg:$0x0] =	wrdreg $0xFFFFFFFF;
	(pc) =	sbr.abs _section_cstart, $3  }
0xc0: {  	[dreg:$0x1] =	wrdreg $0xFFFFFFFF  }
0xc1: {  	_ =	task.clear_ibuf [dreg:s6], $0x2FFFF;
	_ =	strace $0x9FFFFFFF  }
0xc2: {  	(tm) =	ssettm $0x7FFFFFFF  }
0xc3: {  	_ =	shalt  }
tec
execute0_lowered:
.L_overlay_start_1:
0x0: {  	(tag) =	ssettag $0x1  }
0x1: {  	s5 =	rddreg [dreg:$0x0]  }
0x2: {  	s1 =	rddreg [dreg:$0x1]  }
0x3: {  	s0 =	rddreg [dreg:$0x2];
	s2 =	simm.s32 $0x0;
	s11 =	stileid.u32  }
0x4: {  	s6 =	srdreg.scid;
	s17 =	simm.s32 $0x0;
	s4 =	smul.u32 $0xA00, s11  }
0x5: {  	[smem:$0x7FF] =	sst s2;
	s3 =	sadd.s32 $0x18800, s5;
	s9 =	smul.u32 $0x2700, s11  }
0x6: {  	s6 =	sand.u32 $0x1, s6;
	s12 =	smul.u32 $0x4E000, s11;
	s13 =	sadd.s32 $0x42200, s5  }
0x7: {  	s26 =	sshll.u32 s11, $0x6;
	s16 =	sadd.s32 $0x138000, s1;
	s24 =	smul.u32 $0x27100, s6  }
0x8: {  	p0 =	sne.s32 s11, $0x0;
	_ =	strace $0x80000050;
	s14 =	smul.u32 $0x138800, s6  }
0x9: {  	s8 =	ssub.s32 $0x2, s6;
	s28 =	smul.u32 $0x500, s6;
	s7 =	sadd.s32 s4, s5  }
0xa: {  	s4 =	sadd.s32 $0x3FA00, s5;
	s10 =	sshrl.u32 s8, $0x1;
	s25 =	sshrl.u32 s12, $0x2  }
0xb: {  	s5 =	sor.u32 $0x1C02, s26;
	s12 =	simm.s32 $0x2;
	s8 =	ssub.s32 s8, s10  }
0xc: {  	s15 =	sadd.s32 s25, s1;
	s29 =	sadd.s32 s9, s24;
	s30 =	sshrl.u32 s14, $0x3  }
0xd: {  	s31 =	sadd.s32 s28, s7;
	s14 =	simm.s32 $0x80;
	s6 =	sadd.s32 s13, s29  }
0xe: {  	s9 =	sadd.s32 s13, s30;
	s8 =	smax.u32 s8, $0x1;
	s10 =	sadd.s32 $0xE800, s31  }
0xf: {  	s11 =	sshrl.u32 s15, $0x3;
	s13 =	sshrl.u32 @!p0 s16, $0x3;
	s15 =	simm.s32 $0x100  }
0x10: {  	s16 =	simm.s32 $0x1;
	s7 =	sadd.s32 $0x27000, s9;
	s9 =	sadd.s32 $0x4800, s31  }
.LBB2_1:
0x11: {  	[spmem:s11], [sflag:s5] =	dma.local [hbm:s4], $0x2700  }
0x12: {  	_ =	swait.ge [sflag:s12], $0x2700  }
0x13: {  	[sflag:s12] =	ssyncset.done $0x0  }
0x14: {  	s18 =	simm.s32 @!p0 $0x2;
	[sflag:s12] =	ssyncadd.s32 $0xFFFFD900  }
0x15: {  	[spmem:s13], [sflag:s5] =	dma.local @!p0 [hbm:s4], $0x100  }
0x16: {  	_ =	swait.ge @!p0 [sflag:s18], $0x100  }
0x17: {  	[sflag:s18] =	ssyncset.done @!p0 $0x0  }
0x18: {  	[sflag:s18] =	ssyncadd.s32 @!p0 $0xFFFFFF00  }
0x19: {  	s30 =	sadd.s32 $0x0, s10;
	[bflag:$0x0] =	sbarrier.arrive $0xFFFF  }
0x1a: {  	[tilespmem:s2], [sflag:$0x2] =	stream.linear.gather [hbm4b:s30+s2], $0x80, $0x38;
	[tilespmem:$0x17A00] =	vst v63  }
0x1b: {  	_ =	swait.ge [sflag:s12], $0x80  }
0x1c: {  	[sflag:s12] =	ssyncset.done $0x0  }
0x1d: {  	s31 =	sadd.s32 $0x0, s9;
	[sflag:s12] =	ssyncadd.s32 $0xFFFFFF80  }
0x1e: {  	[tilespmem:s14], [sflag:$0x2] =	stream.linear.gather [hbm4b:s31+s2], $0x80, $0x38;
	[tilespmem:$0x17A00] =	vst v63  }
0x1f: {  	_ =	swait.ge [sflag:s12], $0x80  }
0x20: {  	[sflag:s12] =	ssyncset.done $0x0  }
0x21: {  	[sflag:s12] =	ssyncadd.s32 $0xFFFFFF80  }
0x22: {  	[tilespmem:s15], [sflag:$0x1] =	stream.indirect.gather [hbm4b:s3+s14], $0x80, s2, s14, $0xb8;
	[tilespmem:$0x17A00] =	vst v63  }
0x23: {  	_ =	swait.ge [sflag:s16], $0x4000  }
0x24: {  	[sflag:s16] =	ssyncset.done $0x0  }
0x25: {  	[sflag:s16] =	ssyncadd.s32 $0xFFFFC000  }
0x26: {  	[spmem:s1] =	stream.indirect.scatter.add.f32 [tilespmem:s15], [sflag:$0x2], $0x80, s14, s14, $0xb8;
	[tilespmem:$0x17A00] =	vst v63  }
0x27: {  	_ =	swait.ge [sflag:s12], $0x4000  }
0x28: {  	s19 =	simm.s32 $0x20;
	s18 =	simm.s32 $0x10;
	[sflag:s12] =	ssyncset.done $0x0  }
.LBB2_2:
0x29: {  	s20 =	sadd.s32 s18, s10  }
0x2a: {  	[sflag:s12] =	ssyncadd.s32 $0xFFFFC000;
	s21 =	smov.u32 s19;
	s22 =	sadd.s32 $0x10, s19  }
0x2b: {  	[tilespmem:s2], [sflag:$0x2] =	stream.linear.gather [hbm4b:s20+s2], $0x80, $0x38;
	[tilespmem:$0x17A00] =	vst v63  }
0x2c: {  	p1 =	sne.s32 s19, $0x4F0;
	_ =	swait.ge [sflag:s12], $0x80  }
0x2d: {  	[sflag:s12] =	ssyncset.done $0x0  }
0x2e: {  	s19 =	sadd.s32 s18, s9;
	s18 =	smov.u32 s21;
	[sflag:s12] =	ssyncadd.s32 $0xFFFFFF80  }
0x2f: {  	[tilespmem:s14], [sflag:$0x2] =	stream.linear.gather [hbm4b:s19+s2], $0x80, $0x38;
	[tilespmem:$0x17A00] =	vst v63  }
0x30: {  	_ =	swait.ge [sflag:s12], $0x80  }
0x31: {  	[sflag:s12] =	ssyncset.done $0x0  }
0x32: {  	[sflag:s12] =	ssyncadd.s32 $0xFFFFFF80  }
0x33: {  	[tilespmem:s15], [sflag:$0x1] =	stream.indirect.gather [hbm4b:s3+s14], $0x80, s2, s14, $0xb8;
	[tilespmem:$0x17A00] =	vst v63  }
0x34: {  	_ =	swait.ge [sflag:s16], $0x4000  }
.Ltmp0:
0x35: {  	[sflag:s16] =	ssyncset.done $0x0;
	(pc) =	sbr.rel @p1 .LBB2_2-.Ltmp0, $4  }
0x36: {  	[sflag:s16] =	ssyncadd.s32 $0xFFFFC000  }
0x37: {  	[spmem:s1] =	stream.indirect.scatter.add.f32 [tilespmem:s15], [sflag:$0x2], $0x80, s14, s14, $0xb8;
	[tilespmem:$0x17A00] =	vst v63  }
0x38: {  	_ =	swait.ge [sflag:s12], $0x4000  }
0x39: {  	s19 =	smov.u32 s22;
	[sflag:s12] =	ssyncset.done $0x0  }
0x3a: {  	s19 =	sadd.s32 s18, s10;
	[sflag:s12] =	ssyncadd.s32 $0xFFFFC000  }
0x3b: {  	[tilespmem:s2], [sflag:$0x2] =	stream.linear.gather [hbm4b:s19+s2], $0x80, $0x38;
	[tilespmem:$0x17A00] =	vst v63  }
0x3c: {  	_ =	swait.ge [sflag:s12], $0x80  }
0x3d: {  	[sflag:s12] =	ssyncset.done $0x0  }
0x3e: {  	s31 =	sadd.s32 s18, s9;
	[sflag:s12] =	ssyncadd.s32 $0xFFFFFF80  }
0x3f: {  	[tilespmem:s14], [sflag:$0x2] =	stream.linear.gather [hbm4b:s31+s2], $0x80, $0x38;
	[tilespmem:$0x17A00] =	vst v63  }
0x40: {  	_ =	swait.ge [sflag:s12], $0x80  }
0x41: {  	[sflag:s12] =	ssyncset.done $0x0  }
0x42: {  	[sflag:s12] =	ssyncadd.s32 $0xFFFFFF80  }
0x43: {  	[tilespmem:s15], [sflag:$0x1] =	stream.indirect.gather [hbm4b:s3+s14], $0x80, s2, s14, $0xb8;
	[tilespmem:$0x17A00] =	vst v63  }
0x44: {  	_ =	swait.ge [sflag:s16], $0x4000  }
0x45: {  	[sflag:s16] =	ssyncset.done $0x0  }
0x46: {  	[sflag:s16] =	ssyncadd.s32 $0xFFFFC000  }
0x47: {  	[spmem:s1] =	stream.indirect.scatter.add.f32 [tilespmem:s15], [sflag:$0x2], $0x80, s14, s14, $0xb8;
	[tilespmem:$0x17A00] =	vst v63  }
0x48: {  	_ =	swait.ge [sflag:s12], $0x4000  }
0x49: {  	[sflag:s12] =	ssyncset.done $0x0  }
0x4a: {  	[sflag:s12] =	ssyncadd.s32 $0xFFFFC000  }
0x4b: {  	[bflag:$0x0] =	sbarrier.arrive $0xFFFF  }
0x4c: {  	[hbm:s6], [sflag:s5] =	dma.local [spmem:s11], $0x2700  }
0x4d: {  	s17 =	sadd.s32 $0x1, s17;
	_ =	swait.ge [sflag:s12], $0x2700  }
0x4e: {  	p1 =	sne.s32 s17, s8;
	[sflag:s12] =	ssyncset.done $0x0  }
.Ltmp1:
0x4f: {  	s18 =	simm.s32 @!p0 $0x2;
	[sflag:s12] =	ssyncadd.s32 $0xFFFFD900;
	(pc) =	sbr.rel @p1 .LBB2_1-.Ltmp1, $4  }
0x50: {  	[hbm:s7], [sflag:s5] =	dma.local @!p0 [spmem:s13], $0x100  }
0x51: {  	_ =	swait.ge @!p0 [sflag:s18], $0x100  }
0x52: {  	[sflag:s18] =	ssyncset.done @!p0 $0x0  }
0x53: {  	[sflag:s18] =	ssyncadd.s32 @!p0 $0xFFFFFF00  }
0x54: {  	_ =	sfence.sel $0x180000  }
0x55: {  	[bflag:$0x0] =	sbarrier.arrive $0xFFFF  }
0x56: {  	_ =	strace $0x90000050  }
0x57: {  	s0 =	sadd.s32 @!p0 $0x100000, s0;
	[bflag:$0x2] =	sbarrier.arrive $0xFFFF  }
0x58: {  	[sflag:s0] =	ssyncadd.tile.s32 @!p0 $0x1;
	_ =	shalt  }
.Lfunc_end2:
_tile_overlayer_lowered:
.L_overlay_start_2:
0x59: {  	(tag) =	ssettag $0x2  }
0x5a: {  	s0 =	rddreg [dreg:$0x0];
	s2 =	stileid.u32  }
0x5b: {  	s1 =	rddreg [dreg:$0x1];
	p0 =	sne.s32 s2, $0x0  }
0x5c: {  	s3 =	rddreg [dreg:$0x2];
	[bflag:$0x3] =	sbarrier.arrive $0xFFFF;
	s2 =	simm.s32 @!p0 $0x1C02  }
0x5d: {  	[timem:s3], [sflag:s2] =	dma.local @!p0 [hbm:s0], s1  }
0x5e: {  	s0 =	simm.s32 @!p0 $0x2  }
0x5f: {  	_ =	swait.ge @!p0 [sflag:s0], s1  }
0x60: {  	s1 =	ssub.s32 @!p0 $0x0, s1;
	[sflag:s0] =	ssyncset.done @!p0 $0x0  }
0x61: {  	[sflag:s0] =	ssyncadd.s32 @!p0 s1  }
0x62: {  	[bflag:$0x3] =	sbarrier.arrive $0xFFFF  }
0x63: {  	_ =	shalt  }

</sc_bundles>
